<compile_context>
chip_gen: v7x
topology: tpu7x:2x2x1
jax: 0.10.2.dev20260603
libtpu: 0.0.44.dev20260713+nightly
codegen_flags: <defaults>
</compile_context>

<pallas_src>
import functools

import jax
import jax.numpy as jnp
from jax import lax
from jax.experimental import pallas as pl
from jax.experimental.pallas import tpu as pltpu
from jax.experimental.pallas import tpu_sc as plsc

N = 10000
E = 160000
D = 256
H = 128
NC = 2
NS = 16
NW = NC * NS

CHUNK = 56
NBUF = 4
E_PAD = 161280
CH_PER_TILE = E_PAD // NS // CHUNK
E_PER_TILE_C = CH_PER_TILE * CHUNK
E_PER_TILE_A = E_PAD // NW
VECS_A = E_PER_TILE_A // 16
ROWS_PER_TILE = N // NS
ACC_ROWS = N + 16
HIST = ACC_ROWS

_mesh = plsc.VectorSubcoreMesh(core_axis_name="c", subcore_axis_name="s")
_sc_params = pltpu.CompilerParams(
    needs_layout_passes=False, use_tc_tiling_on_sc=False)



@functools.partial(
    pl.kernel,
    out_type=jax.ShapeDtypeStruct((NW, HIST), jnp.float32),
    mesh=_mesh,
    scratch_types=[
        pltpu.VMEM((E_PER_TILE_A,), jnp.int32),
        pltpu.VMEM((HIST,), jnp.float32),
        pltpu.SemaphoreType.DMA,
    ],
    compiler_params=_sc_params,
)
def _deg_kernel(dst_hbm, out_hbm, ids_v, hist_v, sem):
    c = lax.axis_index("c")
    s = lax.axis_index("s")
    wid = c * NS + s
    pltpu.async_copy(dst_hbm.at[wid], ids_v, sem)
    zeros = jnp.zeros((16,), jnp.float32)

    def zbody(i, _):
        hist_v[pl.ds(i * 16, 16)] = zeros
        return 0

    lax.fori_loop(0, HIST // 16, zbody, 0)
    pltpu.make_async_copy(dst_hbm.at[wid], ids_v, sem).wait()
    ones = jnp.ones((16,), jnp.float32)

    def abody(j, _):
        idx = ids_v[pl.ds(j * 16, 16)]
        plsc.addupdate_scatter(hist_v, [idx], ones)
        return 0

    lax.fori_loop(0, VECS_A, abody, 0)
    pltpu.sync_copy(hist_v, out_hbm.at[wid])



def _h_body(x_ref, w_ref, degp_ref, h_ref):
    deg = 1.0 + jnp.sum(degp_ref[...], axis=1)
    dis = lax.rsqrt(deg)
    h = jnp.dot(x_ref[...], w_ref[...], preferred_element_type=jnp.float32)
    hp = h * dis[:, None]
    h_ref[...] = jnp.stack([hp[:, :H], hp[:, H:]])


def _h_call(x, w, deg_parts):
    R = 2000
    grid = (N // R,)
    return pl.pallas_call(
        _h_body,
        grid=grid,
        in_specs=[
            pl.BlockSpec((R, D), lambda i: (i, 0)),
            pl.BlockSpec((D, D), lambda i: (0, 0)),
            pl.BlockSpec((R, NW), lambda i: (i, 0)),
        ],
        out_specs=pl.BlockSpec((NC, R, H), lambda i: (0, i, 0)),
        out_shape=jax.ShapeDtypeStruct((NC, N, H), jnp.float32),
    )(x, w, deg_parts)



@functools.partial(
    pl.kernel,
    out_type=jax.ShapeDtypeStruct((NC, N, H), jnp.float32),
    mesh=_mesh,
    scratch_types=[
        pltpu.VMEM_SHARED((ACC_ROWS, H), jnp.float32),
        pltpu.VMEM((CH_PER_TILE, CHUNK), jnp.int32),
        pltpu.VMEM((CH_PER_TILE, CHUNK), jnp.int32),
    ] + [pltpu.VMEM((CHUNK, H), jnp.float32) for _ in range(NBUF)]
      + [pltpu.SemaphoreType.DMA for _ in range(NBUF)],
    compiler_params=_sc_params,
)
def _agg_kernel(h_hbm, src_hbm, dst_hbm, out_hbm,
                acc_sh, src_v, dst_v, *bufs_and_sems):
    bufs = bufs_and_sems[:NBUF]
    sems = bufs_and_sems[NBUF:]
    c = lax.axis_index("c")
    s = lax.axis_index("s")
    pltpu.sync_copy(src_hbm.at[s], src_v)
    pltpu.sync_copy(dst_hbm.at[s], dst_v)

    def gather(j, t):
        pltpu.async_copy(h_hbm.at[c].at[src_v.at[j]], bufs[t], sems[t])

    for t in range(NBUF):
        gather(t, t)
    pltpu.sync_copy(h_hbm.at[c].at[pl.ds(s * ROWS_PER_TILE, ROWS_PER_TILE)],
                    acc_sh.at[pl.ds(s * ROWS_PER_TILE, ROWS_PER_TILE)])
    plsc.subcore_barrier()

    def loop_i(i, _):
        for t in range(NBUF):
            j = i * NBUF + t
            pltpu.make_async_copy(h_hbm.at[c].at[src_v.at[j]],
                                  bufs[t], sems[t]).wait()
            pltpu.sync_copy(bufs[t], acc_sh.at[dst_v.at[j]], add=True)
            gather(j + NBUF, t)
        return 0

    lax.fori_loop(0, CH_PER_TILE // NBUF - 1, loop_i, 0)
    for t in range(NBUF):
        j = CH_PER_TILE - NBUF + t
        pltpu.make_async_copy(h_hbm.at[c].at[src_v.at[j]],
                              bufs[t], sems[t]).wait()
        pltpu.sync_copy(bufs[t], acc_sh.at[dst_v.at[j]], add=True)
    plsc.subcore_barrier()
    pltpu.sync_copy(acc_sh.at[pl.ds(s * ROWS_PER_TILE, ROWS_PER_TILE)],
                    out_hbm.at[c].at[pl.ds(s * ROWS_PER_TILE, ROWS_PER_TILE)])



def _out_body(pre_ref, degp_ref, b_ref, o_ref):
    deg = 1.0 + jnp.sum(degp_ref[...], axis=1)
    dis = lax.rsqrt(deg)
    merged = jnp.concatenate([pre_ref[0], pre_ref[1]], axis=1)
    o_ref[...] = merged * dis[:, None] + b_ref[...]


def _out_call(pre, deg_parts, b):
    R = 2000
    grid = (N // R,)
    return pl.pallas_call(
        _out_body,
        grid=grid,
        in_specs=[
            pl.BlockSpec((NC, R, H), lambda i: (0, i, 0)),
            pl.BlockSpec((R, NW), lambda i: (i, 0)),
            pl.BlockSpec((1, D), lambda i: (0, 0)),
        ],
        out_specs=pl.BlockSpec((R, D), lambda i: (i, 0)),
        out_shape=jax.ShapeDtypeStruct((N, D), jnp.float32),
    )(pre, deg_parts, b)



def kernel(x, edge_index, W, b):
    ei = edge_index.astype(jnp.int32)
    pad = E_PAD - E
    src = jnp.concatenate([ei[0], jnp.zeros((pad,), jnp.int32)])
    dst = jnp.concatenate([ei[1], jnp.full((pad,), N, jnp.int32)])

    dst_a = dst.reshape(NW, E_PER_TILE_A)
    src_t = src.reshape(NS, CH_PER_TILE, CHUNK)
    dst_t = dst.reshape(NS, CH_PER_TILE, CHUNK)

    deg_parts = _deg_kernel(dst_a)
    degp = deg_parts[:, :N].T
    hp = _h_call(x, W, degp)
    pre = _agg_kernel(hp, src_t, dst_t)
    out = _out_call(pre, degp, b.reshape(1, D))
    return out

# --- scband reference (transcript-rebuilt; emitter-appended) ---
"""Pipeline reference for scband-simple-gcn-69372311765014 (READ-ONLY COPY).

The authoritative reference and input builder live on the scoring server;
editing this copy changes nothing except your own understanding.
"""

import jax, jax.numpy as jnp
import numpy as np

N_NODES = 10000
N_EDGES = 160000
D_IN = 256
D_OUT = 256

def setup_inputs(seed: int = 0) -> dict:
    key = jax.random.key(seed)
    k1, k2, k3, k4 = jax.random.split(key, 4)
    x = jax.random.normal(k1, (N_NODES, D_IN), dtype=jnp.float32)
    edge_index = jax.random.randint(k2, (2, N_EDGES), 0, N_NODES, dtype=jnp.int64)
    # GCNConv learned params: weight [D_IN, D_OUT] (glorot), bias [D_OUT] (zeros)
    limit = jnp.sqrt(6.0 / (D_IN + D_OUT))
    W = jax.random.uniform(k3, (D_IN, D_OUT), minval=-limit, maxval=limit, dtype=jnp.float32)
    b = jnp.zeros((D_OUT,), dtype=jnp.float32)
    return {"x": x, "edge_index": edge_index, "W": W, "b": b}

def reference(x, edge_index, W, b):
    # Faithful GCNConv: add self-loops, symmetric normalization, linear transform,
    # scatter-add aggregation, bias.
    N = x.shape[0]
    loops = jnp.arange(N, dtype=edge_index.dtype)
    src = jnp.concatenate([edge_index[0], loops])
    dst = jnp.concatenate([edge_index[1], loops])
    # degree computed on destination nodes with unit edge weights (incl. self-loops)
    deg = jnp.zeros((N,), dtype=x.dtype).at[dst].add(1.0)
    deg_inv_sqrt = jnp.where(deg > 0, jax.lax.rsqrt(jnp.maximum(deg, 1e-12)), 0.0)
    norm = deg_inv_sqrt[src] * deg_inv_sqrt[dst]
    h = x @ W
    msg = h[src] * norm[:, None]
    out = jnp.zeros((N, h.shape[1]), dtype=x.dtype).at[dst].add(msg)
    out = out + b
    return out

if __name__ == "__main__":
    import jax
    _d = setup_inputs()
    print(jax.jit(kernel)(*tuple(_d.values())))

</pallas_src>

<mosaic_0001>
#map = affine_map<(d0, d1) -> (0, 0)>
module attributes {stable_mosaic.version = 14 : i64} {
  func.func @_deg_kernel(%arg0: i32, %arg1: i32, %arg2: memref<32x5040xi32, #tpu.memory_space<hbm>>, %arg3: memref<32x10016xf32, #tpu.memory_space<hbm>>, %arg4: memref<5040xi32, #tpu.memory_space<vmem>>, %arg5: memref<10016xf32, #tpu.memory_space<vmem>>, %arg6: memref<!tpu.dma_semaphore, #tpu.memory_space<semaphore_mem>>) attributes {dimension_semantics = [#tpu.dimension_semantics<core_parallel>, #tpu.dimension_semantics<subcore_parallel>], iteration_bounds = array<i64: 2, 16>, scalar_prefetch = 0 : i64, scratch_operands = 3 : i64, tpu.core_type = #tpu.core_type<sc_vector_subcore>, window_params = [{transform_indices = #map}, {transform_indices = #map}]} {
    %mul3A = arith.constant 16 : i32
    %mul3A_0 = arith.muli %arg0, %mul3A : i32
    %add3A = arith.addi %mul3A_0, %arg1 : i32
    %dma_start3A = arith.constant 0 : i32
    %dma_start3A_1 = tpu.memref_slice %arg2[%add3A, %dma_start3A] : memref<32x5040xi32, #tpu.memory_space<hbm>> -> memref<1x5040xi32, #tpu.memory_space<hbm>>
    %dma_start3A_2 = tpu.memref_squeeze %dma_start3A_1 : memref<1x5040xi32, #tpu.memory_space<hbm>> -> memref<5040xi32, #tpu.memory_space<hbm>>
    %dma_start3A_3 = arith.constant 0 : i32
    %dma_start3A_4 = tpu.memref_slice %arg2[%add3A, %dma_start3A_3] : memref<32x5040xi32, #tpu.memory_space<hbm>> -> memref<1x5040xi32, #tpu.memory_space<hbm>>
    %dma_start3A_5 = tpu.memref_squeeze %dma_start3A_4 : memref<1x5040xi32, #tpu.memory_space<hbm>> -> memref<5040xi32, #tpu.memory_space<hbm>>
    tpu.enqueue_dma source(%dma_start3A_5 : memref<5040xi32, #tpu.memory_space<hbm>>) target(%arg4 : memref<5040xi32, #tpu.memory_space<vmem>>) target_semaphore(%arg6 : memref<!tpu.dma_semaphore, #tpu.memory_space<semaphore_mem>>)
    %broadcast_in_dim3A = arith.constant 0.000000e+00 : f32
    %broadcast_in_dim3A_6 = vector.broadcast %broadcast_in_dim3A : f32 to vector<16xf32>
    %scan3A = arith.constant 0 : i32
    %scan3A_7 = arith.constant 0 : i32
    %scan3A_8 = arith.constant 626 : i32
    %scan3A_9 = arith.addi %scan3A_7, %scan3A_8 : i32
    %scan3A_10 = arith.constant 1 : i32
    %scan3A_11 = scf.for %scan3A_27 = %scan3A_7 to %scan3A_9 step %scan3A_10 iter_args(%scan3A_28 = %scan3A) -> (i32)  : i32 {
      %mul3A_29 = arith.constant 16 : i32
      %mul3A_30 = arith.muli %scan3A_27, %mul3A_29 : i32
      %swap3A = arith.index_cast %mul3A_30 : i32 to index
      %swap3A_31 = tpu.vector_load %arg5[%swap3A] {strides = array<i32>} : memref<10016xf32, #tpu.memory_space<vmem>>, vector<16xf32>,
      tpu.vector_store %arg5[%swap3A], %broadcast_in_dim3A_6 {strides = array<i32>} : memref<10016xf32, #tpu.memory_space<vmem>>, vector<16xf32>,
      %scan3A_32 = arith.constant 0 : i32
      scf.yield %scan3A_32 : i32
    }
    %scan3A_12 = arith.constant 626 : i32
    %dma_wait3A = arith.constant 0 : i32
    %dma_wait3A_13 = tpu.memref_slice %arg2[%add3A, %dma_wait3A] : memref<32x5040xi32, #tpu.memory_space<hbm>> -> memref<1x5040xi32, #tpu.memory_space<hbm>>
    %dma_wait3A_14 = tpu.memref_squeeze %dma_wait3A_13 : memref<1x5040xi32, #tpu.memory_space<hbm>> -> memref<5040xi32, #tpu.memory_space<hbm>>
    %dma_wait3A_15 = arith.constant 0 : i32
    %dma_wait3A_16 = tpu.memref_slice %arg2[%add3A, %dma_wait3A_15] : memref<32x5040xi32, #tpu.memory_space<hbm>> -> memref<1x5040xi32, #tpu.memory_space<hbm>>
    %dma_wait3A_17 = tpu.memref_squeeze %dma_wait3A_16 : memref<1x5040xi32, #tpu.memory_space<hbm>> -> memref<5040xi32, #tpu.memory_space<hbm>>
    tpu.wait_dma2 semaphore(%arg6 : memref<!tpu.dma_semaphore, #tpu.memory_space<semaphore_mem>>) src(%dma_wait3A_17 : memref<5040xi32, #tpu.memory_space<hbm>>) dst(%arg4 : memref<5040xi32, #tpu.memory_space<vmem>>)
    %broadcast_in_dim3A_18 = arith.constant 1.000000e+00 : f32
    %broadcast_in_dim3A_19 = vector.broadcast %broadcast_in_dim3A_18 : f32 to vector<16xf32>
    %scan3A_20 = arith.constant 0 : i32
    %scan3A_21 = arith.constant 0 : i32
    %scan3A_22 = arith.constant 315 : i32
    %scan3A_23 = arith.addi %scan3A_21, %scan3A_22 : i32
    %scan3A_24 = arith.constant 1 : i32
    %scan3A_25 = scf.for %scan3A_27 = %scan3A_21 to %scan3A_23 step %scan3A_24 iter_args(%scan3A_28 = %scan3A_20) -> (i32)  : i32 {
      %mul3A_29 = arith.constant 16 : i32
      %mul3A_30 = arith.muli %scan3A_27, %mul3A_29 : i32
      %get3A = arith.index_cast %mul3A_30 : i32 to index
      %get3A_31 = tpu.vector_load %arg4[%get3A] {strides = array<i32>} : memref<5040xi32, #tpu.memory_space<vmem>>, vector<16xi32>,
      tpu.vector_store_idx %arg5[%get3A_31], %broadcast_in_dim3A_19 {add = true} : memref<10016xf32, #tpu.memory_space<vmem>>[vector<16xi32>], vector<16xf32>,
      %scan3A_32 = arith.constant 0 : i32
      scf.yield %scan3A_32 : i32
    }
    %scan3A_26 = arith.constant 315 : i32
    "tpu.region"() ({
      %run_scoped3A = tpu.sem_alloc : memref<!tpu.dma_semaphore, #tpu.memory_space<semaphore_mem>>
      %dma_start3A_27 = arith.constant 0 : i32
      %dma_start3A_28 = tpu.memref_slice %arg3[%add3A, %dma_start3A_27] : memref<32x10016xf32, #tpu.memory_space<hbm>> -> memref<1x10016xf32, #tpu.memory_space<hbm>>
      %dma_start3A_29 = tpu.memref_squeeze %dma_start3A_28 : memref<1x10016xf32, #tpu.memory_space<hbm>> -> memref<10016xf32, #tpu.memory_space<hbm>>
      %dma_start3A_30 = arith.constant 0 : i32
      %dma_start3A_31 = tpu.memref_slice %arg3[%add3A, %dma_start3A_30] : memref<32x10016xf32, #tpu.memory_space<hbm>> -> memref<1x10016xf32, #tpu.memory_space<hbm>>
      %dma_start3A_32 = tpu.memref_squeeze %dma_start3A_31 : memref<1x10016xf32, #tpu.memory_space<hbm>> -> memref<10016xf32, #tpu.memory_space<hbm>>
      tpu.enqueue_dma source(%arg5 : memref<10016xf32, #tpu.memory_space<vmem>>) target(%dma_start3A_32 : memref<10016xf32, #tpu.memory_space<hbm>>) target_semaphore(%run_scoped3A : memref<!tpu.dma_semaphore, #tpu.memory_space<semaphore_mem>>)
      %dma_wait3A_33 = arith.constant 0 : i32
      %dma_wait3A_34 = tpu.memref_slice %arg3[%add3A, %dma_wait3A_33] : memref<32x10016xf32, #tpu.memory_space<hbm>> -> memref<1x10016xf32, #tpu.memory_space<hbm>>
      %dma_wait3A_35 = tpu.memref_squeeze %dma_wait3A_34 : memref<1x10016xf32, #tpu.memory_space<hbm>> -> memref<10016xf32, #tpu.memory_space<hbm>>
      %dma_wait3A_36 = arith.constant 0 : i32
      %dma_wait3A_37 = tpu.memref_slice %arg3[%add3A, %dma_wait3A_36] : memref<32x10016xf32, #tpu.memory_space<hbm>> -> memref<1x10016xf32, #tpu.memory_space<hbm>>
      %dma_wait3A_38 = tpu.memref_squeeze %dma_wait3A_37 : memref<1x10016xf32, #tpu.memory_space<hbm>> -> memref<10016xf32, #tpu.memory_space<hbm>>
      tpu.wait_dma2 semaphore(%run_scoped3A : memref<!tpu.dma_semaphore, #tpu.memory_space<semaphore_mem>>) src(%arg5 : memref<10016xf32, #tpu.memory_space<vmem>>) dst(%dma_wait3A_38 : memref<10016xf32, #tpu.memory_space<hbm>>)
      tpu.yield
    }) : () -> ()
    return
  }
}

#map = affine_map<(d0, d1) -> (0, 0, 0)>
module attributes {stable_mosaic.version = 14 : i64} {
  func.func @_agg_kernel(%arg0: i32, %arg1: i32, %arg2: memref<2x10000x128xf32, #tpu.memory_space<hbm>>, %arg3: memref<16x180x56xi32, #tpu.memory_space<hbm>>, %arg4: memref<16x180x56xi32, #tpu.memory_space<hbm>>, %arg5: memref<2x10000x128xf32, #tpu.memory_space<hbm>>, %arg6: memref<10016x128xf32, #tpu.memory_space<vmem_shared>>, %arg7: memref<180x56xi32, #tpu.memory_space<vmem>>, %arg8: memref<180x56xi32, #tpu.memory_space<vmem>>, %arg9: memref<56x128xf32, #tpu.memory_space<vmem>>, %arg10: memref<56x128xf32, #tpu.memory_space<vmem>>, %arg11: memref<56x128xf32, #tpu.memory_space<vmem>>, %arg12: memref<56x128xf32, #tpu.memory_space<vmem>>, %arg13: memref<!tpu.dma_semaphore, #tpu.memory_space<semaphore_mem>>, %arg14: memref<!tpu.dma_semaphore, #tpu.memory_space<semaphore_mem>>, %arg15: memref<!tpu.dma_semaphore, #tpu.memory_space<semaphore_mem>>, %arg16: memref<!tpu.dma_semaphore, #tpu.memory_space<semaphore_mem>>) attributes {dimension_semantics = [#tpu.dimension_semantics<core_parallel>, #tpu.dimension_semantics<subcore_parallel>], iteration_bounds = array<i64: 2, 16>, scalar_prefetch = 0 : i64, scratch_operands = 11 : i64, tpu.core_type = #tpu.core_type<sc_vector_subcore>, window_params = [{transform_indices = #map}, {transform_indices = #map}, {transform_indices = #map}, {transform_indices = #map}]} {
    "tpu.region"() ({
      %run_scoped3A_103 = tpu.sem_alloc : memref<!tpu.dma_semaphore, #tpu.memory_space<semaphore_mem>>
      %dma_start3A_104 = arith.constant 0 : i32
      %dma_start3A_105 = arith.constant 0 : i32
      %dma_start3A_106 = tpu.memref_slice %arg3[%arg1, %dma_start3A_104, %dma_start3A_105] : memref<16x180x56xi32, #tpu.memory_space<hbm>> -> memref<1x180x56xi32, #tpu.memory_space<hbm>>
      %dma_start3A_107 = tpu.memref_squeeze %dma_start3A_106 : memref<1x180x56xi32, #tpu.memory_space<hbm>> -> memref<180x56xi32, #tpu.memory_space<hbm>>
      %dma_start3A_108 = arith.constant 0 : i32
      %dma_start3A_109 = arith.constant 0 : i32
      %dma_start3A_110 = tpu.memref_slice %arg3[%arg1, %dma_start3A_108, %dma_start3A_109] : memref<16x180x56xi32, #tpu.memory_space<hbm>> -> memref<1x180x56xi32, #tpu.memory_space<hbm>>
      %dma_start3A_111 = tpu.memref_squeeze %dma_start3A_110 : memref<1x180x56xi32, #tpu.memory_space<hbm>> -> memref<180x56xi32, #tpu.memory_space<hbm>>
      tpu.enqueue_dma source(%dma_start3A_111 : memref<180x56xi32, #tpu.memory_space<hbm>>) target(%arg7 : memref<180x56xi32, #tpu.memory_space<vmem>>) target_semaphore(%run_scoped3A_103 : memref<!tpu.dma_semaphore, #tpu.memory_space<semaphore_mem>>)
      %dma_wait3A_112 = arith.constant 0 : i32
      %dma_wait3A_113 = arith.constant 0 : i32
      %dma_wait3A_114 = tpu.memref_slice %arg3[%arg1, %dma_wait3A_112, %dma_wait3A_113] : memref<16x180x56xi32, #tpu.memory_space<hbm>> -> memref<1x180x56xi32, #tpu.memory_space<hbm>>
      %dma_wait3A_115 = tpu.memref_squeeze %dma_wait3A_114 : memref<1x180x56xi32, #tpu.memory_space<hbm>> -> memref<180x56xi32, #tpu.memory_space<hbm>>
      %dma_wait3A_116 = arith.constant 0 : i32
      %dma_wait3A_117 = arith.constant 0 : i32
      %dma_wait3A_118 = tpu.memref_slice %arg3[%arg1, %dma_wait3A_116, %dma_wait3A_117] : memref<16x180x56xi32, #tpu.memory_space<hbm>> -> memref<1x180x56xi32, #tpu.memory_space<hbm>>
      %dma_wait3A_119 = tpu.memref_squeeze %dma_wait3A_118 : memref<1x180x56xi32, #tpu.memory_space<hbm>> -> memref<180x56xi32, #tpu.memory_space<hbm>>
      tpu.wait_dma2 semaphore(%run_scoped3A_103 : memref<!tpu.dma_semaphore, #tpu.memory_space<semaphore_mem>>) src(%dma_wait3A_119 : memref<180x56xi32, #tpu.memory_space<hbm>>) dst(%arg7 : memref<180x56xi32, #tpu.memory_space<vmem>>)
      tpu.yield
    }) : () -> ()
    "tpu.region"() ({
      %run_scoped3A_103 = tpu.sem_alloc : memref<!tpu.dma_semaphore, #tpu.memory_space<semaphore_mem>>
      %dma_start3A_104 = arith.constant 0 : i32
      %dma_start3A_105 = arith.constant 0 : i32
      %dma_start3A_106 = tpu.memref_slice %arg4[%arg1, %dma_start3A_104, %dma_start3A_105] : memref<16x180x56xi32, #tpu.memory_space<hbm>> -> memref<1x180x56xi32, #tpu.memory_space<hbm>>
      %dma_start3A_107 = tpu.memref_squeeze %dma_start3A_106 : memref<1x180x56xi32, #tpu.memory_space<hbm>> -> memref<180x56xi32, #tpu.memory_space<hbm>>
      %dma_start3A_108 = arith.constant 0 : i32
      %dma_start3A_109 = arith.constant 0 : i32
      %dma_start3A_110 = tpu.memref_slice %arg4[%arg1, %dma_start3A_108, %dma_start3A_109] : memref<16x180x56xi32, #tpu.memory_space<hbm>> -> memref<1x180x56xi32, #tpu.memory_space<hbm>>
      %dma_start3A_111 = tpu.memref_squeeze %dma_start3A_110 : memref<1x180x56xi32, #tpu.memory_space<hbm>> -> memref<180x56xi32, #tpu.memory_space<hbm>>
      tpu.enqueue_dma source(%dma_start3A_111 : memref<180x56xi32, #tpu.memory_space<hbm>>) target(%arg8 : memref<180x56xi32, #tpu.memory_space<vmem>>) target_semaphore(%run_scoped3A_103 : memref<!tpu.dma_semaphore, #tpu.memory_space<semaphore_mem>>)
      %dma_wait3A_112 = arith.constant 0 : i32
      %dma_wait3A_113 = arith.constant 0 : i32
      %dma_wait3A_114 = tpu.memref_slice %arg4[%arg1, %dma_wait3A_112, %dma_wait3A_113] : memref<16x180x56xi32, #tpu.memory_space<hbm>> -> memref<1x180x56xi32, #tpu.memory_space<hbm>>
      %dma_wait3A_115 = tpu.memref_squeeze %dma_wait3A_114 : memref<1x180x56xi32, #tpu.memory_space<hbm>> -> memref<180x56xi32, #tpu.memory_space<hbm>>
      %dma_wait3A_116 = arith.constant 0 : i32
      %dma_wait3A_117 = arith.constant 0 : i32
      %dma_wait3A_118 = tpu.memref_slice %arg4[%arg1, %dma_wait3A_116, %dma_wait3A_117] : memref<16x180x56xi32, #tpu.memory_space<hbm>> -> memref<1x180x56xi32, #tpu.memory_space<hbm>>
      %dma_wait3A_119 = tpu.memref_squeeze %dma_wait3A_118 : memref<1x180x56xi32, #tpu.memory_space<hbm>> -> memref<180x56xi32, #tpu.memory_space<hbm>>
      tpu.wait_dma2 semaphore(%run_scoped3A_103 : memref<!tpu.dma_semaphore, #tpu.memory_space<semaphore_mem>>) src(%dma_wait3A_119 : memref<180x56xi32, #tpu.memory_space<hbm>>) dst(%arg8 : memref<180x56xi32, #tpu.memory_space<vmem>>)
      tpu.yield
    }) : () -> ()
    %dma_start3A = arith.constant 0 : i32
    %dma_start3A_0 = arith.constant 0 : i32
    %dma_start3A_1 = tpu.memref_slice %arg7[%dma_start3A, %dma_start3A_0] : memref<180x56xi32, #tpu.memory_space<vmem>> -> memref<1x56xi32, #tpu.memory_space<vmem>>
    %dma_start3A_2 = tpu.memref_squeeze %dma_start3A_1 : memref<1x56xi32, #tpu.memory_space<vmem>> -> memref<56xi32, #tpu.memory_space<vmem>>
    %dma_start3A_3 = arith.constant 0 : i32
    %dma_start3A_4 = arith.constant 0 : i32
    %dma_start3A_5 = tpu.memref_slice %arg2[%arg0, %dma_start3A_3, %dma_start3A_4] : memref<2x10000x128xf32, #tpu.memory_space<hbm>> -> memref<1x10000x128xf32, #tpu.memory_space<hbm>>
    %dma_start3A_6 = tpu.memref_squeeze %dma_start3A_5 : memref<1x10000x128xf32, #tpu.memory_space<hbm>> -> memref<10000x128xf32, #tpu.memory_space<hbm>>
    %dma_start3A_7 = arith.constant 0 : i32
    %dma_start3A_8 = arith.constant 0 : i32
    %dma_start3A_9 = tpu.memref_slice %dma_start3A_6[%dma_start3A_7, %dma_start3A_8] : memref<10000x128xf32, #tpu.memory_space<hbm>> -> memref<10000x128xf32, #tpu.memory_space<hbm>>
    tpu.enqueue_indirect_dma source(%dma_start3A_9 : memref<10000x128xf32, #tpu.memory_space<hbm>>) target(%arg9 : memref<56x128xf32, #tpu.memory_space<vmem>>) offsets(%dma_start3A_2 : memref<56xi32, #tpu.memory_space<vmem>>) semaphore(%arg13 : memref<!tpu.dma_semaphore, #tpu.memory_space<semaphore_mem>>)
    %dma_start3A_10 = arith.constant 1 : i32
    %dma_start3A_11 = arith.constant 0 : i32
    %dma_start3A_12 = tpu.memref_slice %arg7[%dma_start3A_10, %dma_start3A_11] : memref<180x56xi32, #tpu.memory_space<vmem>> -> memref<1x56xi32, #tpu.memory_space<vmem>>
    %dma_start3A_13 = tpu.memref_squeeze %dma_start3A_12 : memref<1x56xi32, #tpu.memory_space<vmem>> -> memref<56xi32, #tpu.memory_space<vmem>>
    %dma_start3A_14 = arith.constant 0 : i32
    %dma_start3A_15 = arith.constant 0 : i32
    %dma_start3A_16 = tpu.memref_slice %arg2[%arg0, %dma_start3A_14, %dma_start3A_15] : memref<2x10000x128xf32, #tpu.memory_space<hbm>> -> memref<1x10000x128xf32, #tpu.memory_space<hbm>>
    %dma_start3A_17 = tpu.memref_squeeze %dma_start3A_16 : memref<1x10000x128xf32, #tpu.memory_space<hbm>> -> memref<10000x128xf32, #tpu.memory_space<hbm>>
    %dma_start3A_18 = arith.constant 0 : i32
    %dma_start3A_19 = arith.constant 0 : i32
    %dma_start3A_20 = tpu.memref_slice %dma_start3A_17[%dma_start3A_18, %dma_start3A_19] : memref<10000x128xf32, #tpu.memory_space<hbm>> -> memref<10000x128xf32, #tpu.memory_space<hbm>>
    tpu.enqueue_indirect_dma source(%dma_start3A_20 : memref<10000x128xf32, #tpu.memory_space<hbm>>) target(%arg10 : memref<56x128xf32, #tpu.memory_space<vmem>>) offsets(%dma_start3A_13 : memref<56xi32, #tpu.memory_space<vmem>>) semaphore(%arg14 : memref<!tpu.dma_semaphore, #tpu.memory_space<semaphore_mem>>)
    %dma_start3A_21 = arith.constant 2 : i32
    %dma_start3A_22 = arith.constant 0 : i32
    %dma_start3A_23 = tpu.memref_slice %arg7[%dma_start3A_21, %dma_start3A_22] : memref<180x56xi32, #tpu.memory_space<vmem>> -> memref<1x56xi32, #tpu.memory_space<vmem>>
    %dma_start3A_24 = tpu.memref_squeeze %dma_start3A_23 : memref<1x56xi32, #tpu.memory_space<vmem>> -> memref<56xi32, #tpu.memory_space<vmem>>
    %dma_start3A_25 = arith.constant 0 : i32
    %dma_start3A_26 = arith.constant 0 : i32
    %dma_start3A_27 = tpu.memref_slice %arg2[%arg0, %dma_start3A_25, %dma_start3A_26] : memref<2x10000x128xf32, #tpu.memory_space<hbm>> -> memref<1x10000x128xf32, #tpu.memory_space<hbm>>
    %dma_start3A_28 = tpu.memref_squeeze %dma_start3A_27 : memref<1x10000x128xf32, #tpu.memory_space<hbm>> -> memref<10000x128xf32, #tpu.memory_space<hbm>>
    %dma_start3A_29 = arith.constant 0 : i32
    %dma_start3A_30 = arith.constant 0 : i32
    %dma_start3A_31 = tpu.memref_slice %dma_start3A_28[%dma_start3A_29, %dma_start3A_30] : memref<10000x128xf32, #tpu.memory_space<hbm>> -> memref<10000x128xf32, #tpu.memory_space<hbm>>
    tpu.enqueue_indirect_dma source(%dma_start3A_31 : memref<10000x128xf32, #tpu.memory_space<hbm>>) target(%arg11 : memref<56x128xf32, #tpu.memory_space<vmem>>) offsets(%dma_start3A_24 : memref<56xi32, #tpu.memory_space<vmem>>) semaphore(%arg15 : memref<!tpu.dma_semaphore, #tpu.memory_space<semaphore_mem>>)
    %dma_start3A_32 = arith.constant 3 : i32
    %dma_start3A_33 = arith.constant 0 : i32
    %dma_start3A_34 = tpu.memref_slice %arg7[%dma_start3A_32, %dma_start3A_33] : memref<180x56xi32, #tpu.memory_space<vmem>> -> memref<1x56xi32, #tpu.memory_space<vmem>>
    %dma_start3A_35 = tpu.memref_squeeze %dma_start3A_34 : memref<1x56xi32, #tpu.memory_space<vmem>> -> memref<56xi32, #tpu.memory_space<vmem>>
    %dma_start3A_36 = arith.constant 0 : i32
    %dma_start3A_37 = arith.constant 0 : i32
    %dma_start3A_38 = tpu.memref_slice %arg2[%arg0, %dma_start3A_36, %dma_start3A_37] : memref<2x10000x128xf32, #tpu.memory_space<hbm>> -> memref<1x10000x128xf32, #tpu.memory_space<hbm>>
    %dma_start3A_39 = tpu.memref_squeeze %dma_start3A_38 : memref<1x10000x128xf32, #tpu.memory_space<hbm>> -> memref<10000x128xf32, #tpu.memory_space<hbm>>
    %dma_start3A_40 = arith.constant 0 : i32
    %dma_start3A_41 = arith.constant 0 : i32
    %dma_start3A_42 = tpu.memref_slice %dma_start3A_39[%dma_start3A_40, %dma_start3A_41] : memref<10000x128xf32, #tpu.memory_space<hbm>> -> memref<10000x128xf32, #tpu.memory_space<hbm>>
    tpu.enqueue_indirect_dma source(%dma_start3A_42 : memref<10000x128xf32, #tpu.memory_space<hbm>>) target(%arg12 : memref<56x128xf32, #tpu.memory_space<vmem>>) offsets(%dma_start3A_35 : memref<56xi32, #tpu.memory_space<vmem>>) semaphore(%arg16 : memref<!tpu.dma_semaphore, #tpu.memory_space<semaphore_mem>>)
    %mul3A = arith.constant 625 : i32
    %mul3A_43 = arith.muli %arg1, %mul3A : i32
    %mul3A_44 = arith.constant 625 : i32
    %mul3A_45 = arith.muli %arg1, %mul3A_44 : i32
    "tpu.region"() ({
      %run_scoped3A_103 = tpu.sem_alloc : memref<!tpu.dma_semaphore, #tpu.memory_space<semaphore_mem>>
      %dma_start3A_104 = arith.constant 0 : i32
      %dma_start3A_105 = tpu.memref_slice %arg6[%mul3A_45, %dma_start3A_104] : memref<10016x128xf32, #tpu.memory_space<vmem_shared>> -> memref<625x128xf32, #tpu.memory_space<vmem_shared>>
      %dma_start3A_106 = arith.constant 0 : i32
      %dma_start3A_107 = arith.constant 0 : i32
      %dma_start3A_108 = tpu.memref_slice %arg2[%arg0, %dma_start3A_106, %dma_start3A_107] : memref<2x10000x128xf32, #tpu.memory_space<hbm>> -> memref<1x10000x128xf32, #tpu.memory_space<hbm>>
      %dma_start3A_109 = tpu.memref_squeeze %dma_start3A_108 : memref<1x10000x128xf32, #tpu.memory_space<hbm>> -> memref<10000x128xf32, #tpu.memory_space<hbm>>
      %dma_start3A_110 = arith.constant 0 : i32
      %dma_start3A_111 = tpu.memref_slice %dma_start3A_109[%mul3A_43, %dma_start3A_110] : memref<10000x128xf32, #tpu.memory_space<hbm>> -> memref<625x128xf32, #tpu.memory_space<hbm>>
      tpu.enqueue_dma source(%dma_start3A_111 : memref<625x128xf32, #tpu.memory_space<hbm>>) target(%dma_start3A_105 : memref<625x128xf32, #tpu.memory_space<vmem_shared>>) target_semaphore(%run_scoped3A_103 : memref<!tpu.dma_semaphore, #tpu.memory_space<semaphore_mem>>)
      %dma_wait3A_112 = arith.constant 0 : i32
      %dma_wait3A_113 = tpu.memref_slice %arg6[%mul3A_45, %dma_wait3A_112] : memref<10016x128xf32, #tpu.memory_space<vmem_shared>> -> memref<625x128xf32, #tpu.memory_space<vmem_shared>>
      %dma_wait3A_114 = arith.constant 0 : i32
      %dma_wait3A_115 = arith.constant 0 : i32
      %dma_wait3A_116 = tpu.memref_slice %arg2[%arg0, %dma_wait3A_114, %dma_wait3A_115] : memref<2x10000x128xf32, #tpu.memory_space<hbm>> -> memref<1x10000x128xf32, #tpu.memory_space<hbm>>
      %dma_wait3A_117 = tpu.memref_squeeze %dma_wait3A_116 : memref<1x10000x128xf32, #tpu.memory_space<hbm>> -> memref<10000x128xf32, #tpu.memory_space<hbm>>
      %dma_wait3A_118 = arith.constant 0 : i32
      %dma_wait3A_119 = tpu.memref_slice %dma_wait3A_117[%mul3A_43, %dma_wait3A_118] : memref<10000x128xf32, #tpu.memory_space<hbm>> -> memref<625x128xf32, #tpu.memory_space<hbm>>
      tpu.wait_dma2 semaphore(%run_scoped3A_103 : memref<!tpu.dma_semaphore, #tpu.memory_space<semaphore_mem>>) src(%dma_wait3A_119 : memref<625x128xf32, #tpu.memory_space<hbm>>) dst(%dma_wait3A_113 : memref<625x128xf32, #tpu.memory_space<vmem_shared>>)
      tpu.yield
    }) : () -> ()
    %barrier3A = arith.constant 0 : index
    tpu.barrier barrier_id(%barrier3A)
    %scan3A = arith.constant 0 : i32
    %scan3A_46 = arith.constant 0 : i32
    %scan3A_47 = arith.constant 44 : i32
    %scan3A_48 = arith.addi %scan3A_46, %scan3A_47 : i32
    %scan3A_49 = arith.constant 1 : i32
    %scan3A_50 = scf.for %scan3A_103 = %scan3A_46 to %scan3A_48 step %scan3A_49 iter_args(%scan3A_104 = %scan3A) -> (i32)  : i32 {
      %mul3A_105 = arith.constant 4 : i32
      %mul3A_106 = arith.muli %scan3A_103, %mul3A_105 : i32
      %add3A = arith.constant 0 : i32
      %add3A_107 = arith.addi %mul3A_106, %add3A : i32
      %dma_wait3A_108 = arith.constant 0 : i32
      %dma_wait3A_109 = tpu.memref_slice %arg7[%add3A_107, %dma_wait3A_108] : memref<180x56xi32, #tpu.memory_space<vmem>> -> memref<1x56xi32, #tpu.memory_space<vmem>>
      %dma_wait3A_110 = tpu.memref_squeeze %dma_wait3A_109 : memref<1x56xi32, #tpu.memory_space<vmem>> -> memref<56xi32, #tpu.memory_space<vmem>>
      %dma_wait3A_111 = arith.constant 0 : i32
      %dma_wait3A_112 = arith.constant 0 : i32
      %dma_wait3A_113 = tpu.memref_slice %arg2[%arg0, %dma_wait3A_111, %dma_wait3A_112] : memref<2x10000x128xf32, #tpu.memory_space<hbm>> -> memref<1x10000x128xf32, #tpu.memory_space<hbm>>
      %dma_wait3A_114 = tpu.memref_squeeze %dma_wait3A_113 : memref<1x10000x128xf32, #tpu.memory_space<hbm>> -> memref<10000x128xf32, #tpu.memory_space<hbm>>
      %dma_wait3A_115 = arith.constant 0 : i32
      %dma_wait3A_116 = arith.constant 0 : i32
      %dma_wait3A_117 = tpu.memref_slice %dma_wait3A_114[%dma_wait3A_115, %dma_wait3A_116] : memref<10000x128xf32, #tpu.memory_space<hbm>> -> memref<10000x128xf32, #tpu.memory_space<hbm>>
      tpu.wait_indirect_dma semaphore(%arg13 : memref<!tpu.dma_semaphore, #tpu.memory_space<semaphore_mem>>) src(%dma_wait3A_117 : memref<10000x128xf32, #tpu.memory_space<hbm>>) dst(%arg9 : memref<56x128xf32, #tpu.memory_space<vmem>>)
      "tpu.region"() ({
        %run_scoped3A_209 = tpu.sem_alloc : memref<!tpu.dma_semaphore, #tpu.memory_space<semaphore_mem>>
        %dma_start3A_210 = arith.constant 0 : i32
        %dma_start3A_211 = tpu.memref_slice %arg8[%add3A_107, %dma_start3A_210] : memref<180x56xi32, #tpu.memory_space<vmem>> -> memref<1x56xi32, #tpu.memory_space<vmem>>
        %dma_start3A_212 = tpu.memref_squeeze %dma_start3A_211 : memref<1x56xi32, #tpu.memory_space<vmem>> -> memref<56xi32, #tpu.memory_space<vmem>>
        %dma_start3A_213 = arith.constant 0 : i32
        %dma_start3A_214 = arith.constant 0 : i32
        %dma_start3A_215 = tpu.memref_slice %arg6[%dma_start3A_213, %dma_start3A_214] : memref<10016x128xf32, #tpu.memory_space<vmem_shared>> -> memref<10016x128xf32, #tpu.memory_space<vmem_shared>>
        tpu.enqueue_indirect_dma source(%arg9 : memref<56x128xf32, #tpu.memory_space<vmem>>) target(%dma_start3A_215 : memref<10016x128xf32, #tpu.memory_space<vmem_shared>>) offsets(%dma_start3A_212 : memref<56xi32, #tpu.memory_space<vmem>>) semaphore(%run_scoped3A_209 : memref<!tpu.dma_semaphore, #tpu.memory_space<semaphore_mem>>) {add = true}
        %dma_wait3A_216 = arith.constant 0 : i32
        %dma_wait3A_217 = tpu.memref_slice %arg8[%add3A_107, %dma_wait3A_216] : memref<180x56xi32, #tpu.memory_space<vmem>> -> memref<1x56xi32, #tpu.memory_space<vmem>>
        %dma_wait3A_218 = tpu.memref_squeeze %dma_wait3A_217 : memref<1x56xi32, #tpu.memory_space<vmem>> -> memref<56xi32, #tpu.memory_space<vmem>>
        %dma_wait3A_219 = arith.constant 0 : i32
        %dma_wait3A_220 = arith.constant 0 : i32
        %dma_wait3A_221 = tpu.memref_slice %arg6[%dma_wait3A_219, %dma_wait3A_220] : memref<10016x128xf32, #tpu.memory_space<vmem_shared>> -> memref<10016x128xf32, #tpu.memory_space<vmem_shared>>
        tpu.wait_indirect_dma semaphore(%run_scoped3A_209 : memref<!tpu.dma_semaphore, #tpu.memory_space<semaphore_mem>>) src(%arg9 : memref<56x128xf32, #tpu.memory_space<vmem>>) dst(%dma_wait3A_221 : memref<10016x128xf32, #tpu.memory_space<vmem_shared>>)
        tpu.yield
      }) : () -> ()
      %add3A_118 = arith.constant 4 : i32
      %add3A_119 = arith.addi %add3A_107, %add3A_118 : i32
      %dma_start3A_120 = arith.constant 0 : i32
      %dma_start3A_121 = tpu.memref_slice %arg7[%add3A_119, %dma_start3A_120] : memref<180x56xi32, #tpu.memory_space<vmem>> -> memref<1x56xi32, #tpu.memory_space<vmem>>
      %dma_start3A_122 = tpu.memref_squeeze %dma_start3A_121 : memref<1x56xi32, #tpu.memory_space<vmem>> -> memref<56xi32, #tpu.memory_space<vmem>>
      %dma_start3A_123 = arith.constant 0 : i32
      %dma_start3A_124 = arith.constant 0 : i32
      %dma_start3A_125 = tpu.memref_slice %arg2[%arg0, %dma_start3A_123, %dma_start3A_124] : memref<2x10000x128xf32, #tpu.memory_space<hbm>> -> memref<1x10000x128xf32, #tpu.memory_space<hbm>>
      %dma_start3A_126 = tpu.memref_squeeze %dma_start3A_125 : memref<1x10000x128xf32, #tpu.memory_space<hbm>> -> memref<10000x128xf32, #tpu.memory_space<hbm>>
      %dma_start3A_127 = arith.constant 0 : i32
      %dma_start3A_128 = arith.constant 0 : i32
      %dma_start3A_129 = tpu.memref_slice %dma_start3A_126[%dma_start3A_127, %dma_start3A_128] : memref<10000x128xf32, #tpu.memory_space<hbm>> -> memref<10000x128xf32, #tpu.memory_space<hbm>>
      tpu.enqueue_indirect_dma source(%dma_start3A_129 : memref<10000x128xf32, #tpu.memory_space<hbm>>) target(%arg9 : memref<56x128xf32, #tpu.memory_space<vmem>>) offsets(%dma_start3A_122 : memref<56xi32, #tpu.memory_space<vmem>>) semaphore(%arg13 : memref<!tpu.dma_semaphore, #tpu.memory_space<semaphore_mem>>)
      %mul3A_130 = arith.constant 4 : i32
      %mul3A_131 = arith.muli %scan3A_103, %mul3A_130 : i32
      %add3A_132 = arith.constant 1 : i32
      %add3A_133 = arith.addi %mul3A_131, %add3A_132 : i32
      %dma_wait3A_134 = arith.constant 0 : i32
      %dma_wait3A_135 = tpu.memref_slice %arg7[%add3A_133, %dma_wait3A_134] : memref<180x56xi32, #tpu.memory_space<vmem>> -> memref<1x56xi32, #tpu.memory_space<vmem>>
      %dma_wait3A_136 = tpu.memref_squeeze %dma_wait3A_135 : memref<1x56xi32, #tpu.memory_space<vmem>> -> memref<56xi32, #tpu.memory_space<vmem>>
      %dma_wait3A_137 = arith.constant 0 : i32
      %dma_wait3A_138 = arith.constant 0 : i32
      %dma_wait3A_139 = tpu.memref_slice %arg2[%arg0, %dma_wait3A_137, %dma_wait3A_138] : memref<2x10000x128xf32, #tpu.memory_space<hbm>> -> memref<1x10000x128xf32, #tpu.memory_space<hbm>>
      %dma_wait3A_140 = tpu.memref_squeeze %dma_wait3A_139 : memref<1x10000x128xf32, #tpu.memory_space<hbm>> -> memref<10000x128xf32, #tpu.memory_space<hbm>>
      %dma_wait3A_141 = arith.constant 0 : i32
      %dma_wait3A_142 = arith.constant 0 : i32
      %dma_wait3A_143 = tpu.memref_slice %dma_wait3A_140[%dma_wait3A_141, %dma_wait3A_142] : memref<10000x128xf32, #tpu.memory_space<hbm>> -> memref<10000x128xf32, #tpu.memory_space<hbm>>
      tpu.wait_indirect_dma semaphore(%arg14 : memref<!tpu.dma_semaphore, #tpu.memory_space<semaphore_mem>>) src(%dma_wait3A_143 : memref<10000x128xf32, #tpu.memory_space<hbm>>) dst(%arg10 : memref<56x128xf32, #tpu.memory_space<vmem>>)
      "tpu.region"() ({
        %run_scoped3A_209 = tpu.sem_alloc : memref<!tpu.dma_semaphore, #tpu.memory_space<semaphore_mem>>
        %dma_start3A_210 = arith.constant 0 : i32
        %dma_start3A_211 = tpu.memref_slice %arg8[%add3A_133, %dma_start3A_210] : memref<180x56xi32, #tpu.memory_space<vmem>> -> memref<1x56xi32, #tpu.memory_space<vmem>>
        %dma_start3A_212 = tpu.memref_squeeze %dma_start3A_211 : memref<1x56xi32, #tpu.memory_space<vmem>> -> memref<56xi32, #tpu.memory_space<vmem>>
        %dma_start3A_213 = arith.constant 0 : i32
        %dma_start3A_214 = arith.constant 0 : i32
        %dma_start3A_215 = tpu.memref_slice %arg6[%dma_start3A_213, %dma_start3A_214] : memref<10016x128xf32, #tpu.memory_space<vmem_shared>> -> memref<10016x128xf32, #tpu.memory_space<vmem_shared>>
        tpu.enqueue_indirect_dma source(%arg10 : memref<56x128xf32, #tpu.memory_space<vmem>>) target(%dma_start3A_215 : memref<10016x128xf32, #tpu.memory_space<vmem_shared>>) offsets(%dma_start3A_212 : memref<56xi32, #tpu.memory_space<vmem>>) semaphore(%run_scoped3A_209 : memref<!tpu.dma_semaphore, #tpu.memory_space<semaphore_mem>>) {add = true}
        %dma_wait3A_216 = arith.constant 0 : i32
        %dma_wait3A_217 = tpu.memref_slice %arg8[%add3A_133, %dma_wait3A_216] : memref<180x56xi32, #tpu.memory_space<vmem>> -> memref<1x56xi32, #tpu.memory_space<vmem>>
        %dma_wait3A_218 = tpu.memref_squeeze %dma_wait3A_217 : memref<1x56xi32, #tpu.memory_space<vmem>> -> memref<56xi32, #tpu.memory_space<vmem>>
        %dma_wait3A_219 = arith.constant 0 : i32
        %dma_wait3A_220 = arith.constant 0 : i32
        %dma_wait3A_221 = tpu.memref_slice %arg6[%dma_wait3A_219, %dma_wait3A_220] : memref<10016x128xf32, #tpu.memory_space<vmem_shared>> -> memref<10016x128xf32, #tpu.memory_space<vmem_shared>>
        tpu.wait_indirect_dma semaphore(%run_scoped3A_209 : memref<!tpu.dma_semaphore, #tpu.memory_space<semaphore_mem>>) src(%arg10 : memref<56x128xf32, #tpu.memory_space<vmem>>) dst(%dma_wait3A_221 : memref<10016x128xf32, #tpu.memory_space<vmem_shared>>)
        tpu.yield
      }) : () -> ()
      %add3A_144 = arith.constant 4 : i32
      %add3A_145 = arith.addi %add3A_133, %add3A_144 : i32
      %dma_start3A_146 = arith.constant 0 : i32
      %dma_start3A_147 = tpu.memref_slice %arg7[%add3A_145, %dma_start3A_146] : memref<180x56xi32, #tpu.memory_space<vmem>> -> memref<1x56xi32, #tpu.memory_space<vmem>>
      %dma_start3A_148 = tpu.memref_squeeze %dma_start3A_147 : memref<1x56xi32, #tpu.memory_space<vmem>> -> memref<56xi32, #tpu.memory_space<vmem>>
      %dma_start3A_149 = arith.constant 0 : i32
      %dma_start3A_150 = arith.constant 0 : i32
      %dma_start3A_151 = tpu.memref_slice %arg2[%arg0, %dma_start3A_149, %dma_start3A_150] : memref<2x10000x128xf32, #tpu.memory_space<hbm>> -> memref<1x10000x128xf32, #tpu.memory_space<hbm>>
      %dma_start3A_152 = tpu.memref_squeeze %dma_start3A_151 : memref<1x10000x128xf32, #tpu.memory_space<hbm>> -> memref<10000x128xf32, #tpu.memory_space<hbm>>
      %dma_start3A_153 = arith.constant 0 : i32
      %dma_start3A_154 = arith.constant 0 : i32
      %dma_start3A_155 = tpu.memref_slice %dma_start3A_152[%dma_start3A_153, %dma_start3A_154] : memref<10000x128xf32, #tpu.memory_space<hbm>> -> memref<10000x128xf32, #tpu.memory_space<hbm>>
      tpu.enqueue_indirect_dma source(%dma_start3A_155 : memref<10000x128xf32, #tpu.memory_space<hbm>>) target(%arg10 : memref<56x128xf32, #tpu.memory_space<vmem>>) offsets(%dma_start3A_148 : memref<56xi32, #tpu.memory_space<vmem>>) semaphore(%arg14 : memref<!tpu.dma_semaphore, #tpu.memory_space<semaphore_mem>>)
      %mul3A_156 = arith.constant 4 : i32
      %mul3A_157 = arith.muli %scan3A_103, %mul3A_156 : i32
      %add3A_158 = arith.constant 2 : i32
      %add3A_159 = arith.addi %mul3A_157, %add3A_158 : i32
      %dma_wait3A_160 = arith.constant 0 : i32
      %dma_wait3A_161 = tpu.memref_slice %arg7[%add3A_159, %dma_wait3A_160] : memref<180x56xi32, #tpu.memory_space<vmem>> -> memref<1x56xi32, #tpu.memory_space<vmem>>
      %dma_wait3A_162 = tpu.memref_squeeze %dma_wait3A_161 : memref<1x56xi32, #tpu.memory_space<vmem>> -> memref<56xi32, #tpu.memory_space<vmem>>
      %dma_wait3A_163 = arith.constant 0 : i32
      %dma_wait3A_164 = arith.constant 0 : i32
      %dma_wait3A_165 = tpu.memref_slice %arg2[%arg0, %dma_wait3A_163, %dma_wait3A_164] : memref<2x10000x128xf32, #tpu.memory_space<hbm>> -> memref<1x10000x128xf32, #tpu.memory_space<hbm>>
      %dma_wait3A_166 = tpu.memref_squeeze %dma_wait3A_165 : memref<1x10000x128xf32, #tpu.memory_space<hbm>> -> memref<10000x128xf32, #tpu.memory_space<hbm>>
      %dma_wait3A_167 = arith.constant 0 : i32
      %dma_wait3A_168 = arith.constant 0 : i32
      %dma_wait3A_169 = tpu.memref_slice %dma_wait3A_166[%dma_wait3A_167, %dma_wait3A_168] : memref<10000x128xf32, #tpu.memory_space<hbm>> -> memref<10000x128xf32, #tpu.memory_space<hbm>>
      tpu.wait_indirect_dma semaphore(%arg15 : memref<!tpu.dma_semaphore, #tpu.memory_space<semaphore_mem>>) src(%dma_wait3A_169 : memref<10000x128xf32, #tpu.memory_space<hbm>>) dst(%arg11 : memref<56x128xf32, #tpu.memory_space<vmem>>)
      "tpu.region"() ({
        %run_scoped3A_209 = tpu.sem_alloc : memref<!tpu.dma_semaphore, #tpu.memory_space<semaphore_mem>>
        %dma_start3A_210 = arith.constant 0 : i32
        %dma_start3A_211 = tpu.memref_slice %arg8[%add3A_159, %dma_start3A_210] : memref<180x56xi32, #tpu.memory_space<vmem>> -> memref<1x56xi32, #tpu.memory_space<vmem>>
        %dma_start3A_212 = tpu.memref_squeeze %dma_start3A_211 : memref<1x56xi32, #tpu.memory_space<vmem>> -> memref<56xi32, #tpu.memory_space<vmem>>
        %dma_start3A_213 = arith.constant 0 : i32
        %dma_start3A_214 = arith.constant 0 : i32
        %dma_start3A_215 = tpu.memref_slice %arg6[%dma_start3A_213, %dma_start3A_214] : memref<10016x128xf32, #tpu.memory_space<vmem_shared>> -> memref<10016x128xf32, #tpu.memory_space<vmem_shared>>
        tpu.enqueue_indirect_dma source(%arg11 : memref<56x128xf32, #tpu.memory_space<vmem>>) target(%dma_start3A_215 : memref<10016x128xf32, #tpu.memory_space<vmem_shared>>) offsets(%dma_start3A_212 : memref<56xi32, #tpu.memory_space<vmem>>) semaphore(%run_scoped3A_209 : memref<!tpu.dma_semaphore, #tpu.memory_space<semaphore_mem>>) {add = true}
        %dma_wait3A_216 = arith.constant 0 : i32
        %dma_wait3A_217 = tpu.memref_slice %arg8[%add3A_159, %dma_wait3A_216] : memref<180x56xi32, #tpu.memory_space<vmem>> -> memref<1x56xi32, #tpu.memory_space<vmem>>
        %dma_wait3A_218 = tpu.memref_squeeze %dma_wait3A_217 : memref<1x56xi32, #tpu.memory_space<vmem>> -> memref<56xi32, #tpu.memory_space<vmem>>
        %dma_wait3A_219 = arith.constant 0 : i32
        %dma_wait3A_220 = arith.constant 0 : i32
        %dma_wait3A_221 = tpu.memref_slice %arg6[%dma_wait3A_219, %dma_wait3A_220] : memref<10016x128xf32, #tpu.memory_space<vmem_shared>> -> memref<10016x128xf32, #tpu.memory_space<vmem_shared>>
        tpu.wait_indirect_dma semaphore(%run_scoped3A_209 : memref<!tpu.dma_semaphore, #tpu.memory_space<semaphore_mem>>) src(%arg11 : memref<56x128xf32, #tpu.memory_space<vmem>>) dst(%dma_wait3A_221 : memref<10016x128xf32, #tpu.memory_space<vmem_shared>>)
        tpu.yield
      }) : () -> ()
      %add3A_170 = arith.constant 4 : i32
      %add3A_171 = arith.addi %add3A_159, %add3A_170 : i32
      %dma_start3A_172 = arith.constant 0 : i32
      %dma_start3A_173 = tpu.memref_slice %arg7[%add3A_171, %dma_start3A_172] : memref<180x56xi32, #tpu.memory_space<vmem>> -> memref<1x56xi32, #tpu.memory_space<vmem>>
      %dma_start3A_174 = tpu.memref_squeeze %dma_start3A_173 : memref<1x56xi32, #tpu.memory_space<vmem>> -> memref<56xi32, #tpu.memory_space<vmem>>
      %dma_start3A_175 = arith.constant 0 : i32
      %dma_start3A_176 = arith.constant 0 : i32
      %dma_start3A_177 = tpu.memref_slice %arg2[%arg0, %dma_start3A_175, %dma_start3A_176] : memref<2x10000x128xf32, #tpu.memory_space<hbm>> -> memref<1x10000x128xf32, #tpu.memory_space<hbm>>
      %dma_start3A_178 = tpu.memref_squeeze %dma_start3A_177 : memref<1x10000x128xf32, #tpu.memory_space<hbm>> -> memref<10000x128xf32, #tpu.memory_space<hbm>>
      %dma_start3A_179 = arith.constant 0 : i32
      %dma_start3A_180 = arith.constant 0 : i32
      %dma_start3A_181 = tpu.memref_slice %dma_start3A_178[%dma_start3A_179, %dma_start3A_180] : memref<10000x128xf32, #tpu.memory_space<hbm>> -> memref<10000x128xf32, #tpu.memory_space<hbm>>
      tpu.enqueue_indirect_dma source(%dma_start3A_181 : memref<10000x128xf32, #tpu.memory_space<hbm>>) target(%arg11 : memref<56x128xf32, #tpu.memory_space<vmem>>) offsets(%dma_start3A_174 : memref<56xi32, #tpu.memory_space<vmem>>) semaphore(%arg15 : memref<!tpu.dma_semaphore, #tpu.memory_space<semaphore_mem>>)
      %mul3A_182 = arith.constant 4 : i32
      %mul3A_183 = arith.muli %scan3A_103, %mul3A_182 : i32
      %add3A_184 = arith.constant 3 : i32
      %add3A_185 = arith.addi %mul3A_183, %add3A_184 : i32
      %dma_wait3A_186 = arith.constant 0 : i32
      %dma_wait3A_187 = tpu.memref_slice %arg7[%add3A_185, %dma_wait3A_186] : memref<180x56xi32, #tpu.memory_space<vmem>> -> memref<1x56xi32, #tpu.memory_space<vmem>>
      %dma_wait3A_188 = tpu.memref_squeeze %dma_wait3A_187 : memref<1x56xi32, #tpu.memory_space<vmem>> -> memref<56xi32, #tpu.memory_space<vmem>>
      %dma_wait3A_189 = arith.constant 0 : i32
      %dma_wait3A_190 = arith.constant 0 : i32
      %dma_wait3A_191 = tpu.memref_slice %arg2[%arg0, %dma_wait3A_189, %dma_wait3A_190] : memref<2x10000x128xf32, #tpu.memory_space<hbm>> -> memref<1x10000x128xf32, #tpu.memory_space<hbm>>
      %dma_wait3A_192 = tpu.memref_squeeze %dma_wait3A_191 : memref<1x10000x128xf32, #tpu.memory_space<hbm>> -> memref<10000x128xf32, #tpu.memory_space<hbm>>
      %dma_wait3A_193 = arith.constant 0 : i32
      %dma_wait3A_194 = arith.constant 0 : i32
      %dma_wait3A_195 = tpu.memref_slice %dma_wait3A_192[%dma_wait3A_193, %dma_wait3A_194] : memref<10000x128xf32, #tpu.memory_space<hbm>> -> memref<10000x128xf32, #tpu.memory_space<hbm>>
      tpu.wait_indirect_dma semaphore(%arg16 : memref<!tpu.dma_semaphore, #tpu.memory_space<semaphore_mem>>) src(%dma_wait3A_195 : memref<10000x128xf32, #tpu.memory_space<hbm>>) dst(%arg12 : memref<56x128xf32, #tpu.memory_space<vmem>>)
      "tpu.region"() ({
        %run_scoped3A_209 = tpu.sem_alloc : memref<!tpu.dma_semaphore, #tpu.memory_space<semaphore_mem>>
        %dma_start3A_210 = arith.constant 0 : i32
        %dma_start3A_211 = tpu.memref_slice %arg8[%add3A_185, %dma_start3A_210] : memref<180x56xi32, #tpu.memory_space<vmem>> -> memref<1x56xi32, #tpu.memory_space<vmem>>
        %dma_start3A_212 = tpu.memref_squeeze %dma_start3A_211 : memref<1x56xi32, #tpu.memory_space<vmem>> -> memref<56xi32, #tpu.memory_space<vmem>>
        %dma_start3A_213 = arith.constant 0 : i32
        %dma_start3A_214 = arith.constant 0 : i32
        %dma_start3A_215 = tpu.memref_slice %arg6[%dma_start3A_213, %dma_start3A_214] : memref<10016x128xf32, #tpu.memory_space<vmem_shared>> -> memref<10016x128xf32, #tpu.memory_space<vmem_shared>>
        tpu.enqueue_indirect_dma source(%arg12 : memref<56x128xf32, #tpu.memory_space<vmem>>) target(%dma_start3A_215 : memref<10016x128xf32, #tpu.memory_space<vmem_shared>>) offsets(%dma_start3A_212 : memref<56xi32, #tpu.memory_space<vmem>>) semaphore(%run_scoped3A_209 : memref<!tpu.dma_semaphore, #tpu.memory_space<semaphore_mem>>) {add = true}
        %dma_wait3A_216 = arith.constant 0 : i32
        %dma_wait3A_217 = tpu.memref_slice %arg8[%add3A_185, %dma_wait3A_216] : memref<180x56xi32, #tpu.memory_space<vmem>> -> memref<1x56xi32, #tpu.memory_space<vmem>>
        %dma_wait3A_218 = tpu.memref_squeeze %dma_wait3A_217 : memref<1x56xi32, #tpu.memory_space<vmem>> -> memref<56xi32, #tpu.memory_space<vmem>>
        %dma_wait3A_219 = arith.constant 0 : i32
        %dma_wait3A_220 = arith.constant 0 : i32
        %dma_wait3A_221 = tpu.memref_slice %arg6[%dma_wait3A_219, %dma_wait3A_220] : memref<10016x128xf32, #tpu.memory_space<vmem_shared>> -> memref<10016x128xf32, #tpu.memory_space<vmem_shared>>
        tpu.wait_indirect_dma semaphore(%run_scoped3A_209 : memref<!tpu.dma_semaphore, #tpu.memory_space<semaphore_mem>>) src(%arg12 : memref<56x128xf32, #tpu.memory_space<vmem>>) dst(%dma_wait3A_221 : memref<10016x128xf32, #tpu.memory_space<vmem_shared>>)
        tpu.yield
      }) : () -> ()
      %add3A_196 = arith.constant 4 : i32
      %add3A_197 = arith.addi %add3A_185, %add3A_196 : i32
      %dma_start3A_198 = arith.constant 0 : i32
      %dma_start3A_199 = tpu.memref_slice %arg7[%add3A_197, %dma_start3A_198] : memref<180x56xi32, #tpu.memory_space<vmem>> -> memref<1x56xi32, #tpu.memory_space<vmem>>
      %dma_start3A_200 = tpu.memref_squeeze %dma_start3A_199 : memref<1x56xi32, #tpu.memory_space<vmem>> -> memref<56xi32, #tpu.memory_space<vmem>>
      %dma_start3A_201 = arith.constant 0 : i32
      %dma_start3A_202 = arith.constant 0 : i32
      %dma_start3A_203 = tpu.memref_slice %arg2[%arg0, %dma_start3A_201, %dma_start3A_202] : memref<2x10000x128xf32, #tpu.memory_space<hbm>> -> memref<1x10000x128xf32, #tpu.memory_space<hbm>>
      %dma_start3A_204 = tpu.memref_squeeze %dma_start3A_203 : memref<1x10000x128xf32, #tpu.memory_space<hbm>> -> memref<10000x128xf32, #tpu.memory_space<hbm>>
      %dma_start3A_205 = arith.constant 0 : i32
      %dma_start3A_206 = arith.constant 0 : i32
      %dma_start3A_207 = tpu.memref_slice %dma_start3A_204[%dma_start3A_205, %dma_start3A_206] : memref<10000x128xf32, #tpu.memory_space<hbm>> -> memref<10000x128xf32, #tpu.memory_space<hbm>>
      tpu.enqueue_indirect_dma source(%dma_start3A_207 : memref<10000x128xf32, #tpu.memory_space<hbm>>) target(%arg12 : memref<56x128xf32, #tpu.memory_space<vmem>>) offsets(%dma_start3A_200 : memref<56xi32, #tpu.memory_space<vmem>>) semaphore(%arg16 : memref<!tpu.dma_semaphore, #tpu.memory_space<semaphore_mem>>)
      %scan3A_208 = arith.constant 0 : i32
      scf.yield %scan3A_208 : i32
    }
    %scan3A_51 = arith.constant 44 : i32
    %dma_wait3A = arith.constant 176 : i32
    %dma_wait3A_52 = arith.constant 0 : i32
    %dma_wait3A_53 = tpu.memref_slice %arg7[%dma_wait3A, %dma_wait3A_52] : memref<180x56xi32, #tpu.memory_space<vmem>> -> memref<1x56xi32, #tpu.memory_space<vmem>>
    %dma_wait3A_54 = tpu.memref_squeeze %dma_wait3A_53 : memref<1x56xi32, #tpu.memory_space<vmem>> -> memref<56xi32, #tpu.memory_space<vmem>>
    %dma_wait3A_55 = arith.constant 0 : i32
    %dma_wait3A_56 = arith.constant 0 : i32
    %dma_wait3A_57 = tpu.memref_slice %arg2[%arg0, %dma_wait3A_55, %dma_wait3A_56] : memref<2x10000x128xf32, #tpu.memory_space<hbm>> -> memref<1x10000x128xf32, #tpu.memory_space<hbm>>
    %dma_wait3A_58 = tpu.memref_squeeze %dma_wait3A_57 : memref<1x10000x128xf32, #tpu.memory_space<hbm>> -> memref<10000x128xf32, #tpu.memory_space<hbm>>
    %dma_wait3A_59 = arith.constant 0 : i32
    %dma_wait3A_60 = arith.constant 0 : i32
    %dma_wait3A_61 = tpu.memref_slice %dma_wait3A_58[%dma_wait3A_59, %dma_wait3A_60] : memref<10000x128xf32, #tpu.memory_space<hbm>> -> memref<10000x128xf32, #tpu.memory_space<hbm>>
    tpu.wait_indirect_dma semaphore(%arg13 : memref<!tpu.dma_semaphore, #tpu.memory_space<semaphore_mem>>) src(%dma_wait3A_61 : memref<10000x128xf32, #tpu.memory_space<hbm>>) dst(%arg9 : memref<56x128xf32, #tpu.memory_space<vmem>>)
    %run_scoped3A = arith.constant 176 : i32
    "tpu.region"() ({
      %run_scoped3A_103 = tpu.sem_alloc : memref<!tpu.dma_semaphore, #tpu.memory_space<semaphore_mem>>
      %dma_start3A_104 = arith.constant 0 : i32
      %dma_start3A_105 = tpu.memref_slice %arg8[%run_scoped3A, %dma_start3A_104] : memref<180x56xi32, #tpu.memory_space<vmem>> -> memref<1x56xi32, #tpu.memory_space<vmem>>
      %dma_start3A_106 = tpu.memref_squeeze %dma_start3A_105 : memref<1x56xi32, #tpu.memory_space<vmem>> -> memref<56xi32, #tpu.memory_space<vmem>>
      %dma_start3A_107 = arith.constant 0 : i32
      %dma_start3A_108 = arith.constant 0 : i32
      %dma_start3A_109 = tpu.memref_slice %arg6[%dma_start3A_107, %dma_start3A_108] : memref<10016x128xf32, #tpu.memory_space<vmem_shared>> -> memref<10016x128xf32, #tpu.memory_space<vmem_shared>>
      tpu.enqueue_indirect_dma source(%arg9 : memref<56x128xf32, #tpu.memory_space<vmem>>) target(%dma_start3A_109 : memref<10016x128xf32, #tpu.memory_space<vmem_shared>>) offsets(%dma_start3A_106 : memref<56xi32, #tpu.memory_space<vmem>>) semaphore(%run_scoped3A_103 : memref<!tpu.dma_semaphore, #tpu.memory_space<semaphore_mem>>) {add = true}
      %dma_wait3A_110 = arith.constant 0 : i32
      %dma_wait3A_111 = tpu.memref_slice %arg8[%run_scoped3A, %dma_wait3A_110] : memref<180x56xi32, #tpu.memory_space<vmem>> -> memref<1x56xi32, #tpu.memory_space<vmem>>
      %dma_wait3A_112 = tpu.memref_squeeze %dma_wait3A_111 : memref<1x56xi32, #tpu.memory_space<vmem>> -> memref<56xi32, #tpu.memory_space<vmem>>
      %dma_wait3A_113 = arith.constant 0 : i32
      %dma_wait3A_114 = arith.constant 0 : i32
      %dma_wait3A_115 = tpu.memref_slice %arg6[%dma_wait3A_113, %dma_wait3A_114] : memref<10016x128xf32, #tpu.memory_space<vmem_shared>> -> memref<10016x128xf32, #tpu.memory_space<vmem_shared>>
      tpu.wait_indirect_dma semaphore(%run_scoped3A_103 : memref<!tpu.dma_semaphore, #tpu.memory_space<semaphore_mem>>) src(%arg9 : memref<56x128xf32, #tpu.memory_space<vmem>>) dst(%dma_wait3A_115 : memref<10016x128xf32, #tpu.memory_space<vmem_shared>>)
      tpu.yield
    }) : () -> ()
    %dma_wait3A_62 = arith.constant 177 : i32
    %dma_wait3A_63 = arith.constant 0 : i32
    %dma_wait3A_64 = tpu.memref_slice %arg7[%dma_wait3A_62, %dma_wait3A_63] : memref<180x56xi32, #tpu.memory_space<vmem>> -> memref<1x56xi32, #tpu.memory_space<vmem>>
    %dma_wait3A_65 = tpu.memref_squeeze %dma_wait3A_64 : memref<1x56xi32, #tpu.memory_space<vmem>> -> memref<56xi32, #tpu.memory_space<vmem>>
    %dma_wait3A_66 = arith.constant 0 : i32
    %dma_wait3A_67 = arith.constant 0 : i32
    %dma_wait3A_68 = tpu.memref_slice %arg2[%arg0, %dma_wait3A_66, %dma_wait3A_67] : memref<2x10000x128xf32, #tpu.memory_space<hbm>> -> memref<1x10000x128xf32, #tpu.memory_space<hbm>>
    %dma_wait3A_69 = tpu.memref_squeeze %dma_wait3A_68 : memref<1x10000x128xf32, #tpu.memory_space<hbm>> -> memref<10000x128xf32, #tpu.memory_space<hbm>>
    %dma_wait3A_70 = arith.constant 0 : i32
    %dma_wait3A_71 = arith.constant 0 : i32
    %dma_wait3A_72 = tpu.memref_slice %dma_wait3A_69[%dma_wait3A_70, %dma_wait3A_71] : memref<10000x128xf32, #tpu.memory_space<hbm>> -> memref<10000x128xf32, #tpu.memory_space<hbm>>
    tpu.wait_indirect_dma semaphore(%arg14 : memref<!tpu.dma_semaphore, #tpu.memory_space<semaphore_mem>>) src(%dma_wait3A_72 : memref<10000x128xf32, #tpu.memory_space<hbm>>) dst(%arg10 : memref<56x128xf32, #tpu.memory_space<vmem>>)
    %run_scoped3A_73 = arith.constant 177 : i32
    "tpu.region"() ({
      %run_scoped3A_103 = tpu.sem_alloc : memref<!tpu.dma_semaphore, #tpu.memory_space<semaphore_mem>>
      %dma_start3A_104 = arith.constant 0 : i32
      %dma_start3A_105 = tpu.memref_slice %arg8[%run_scoped3A_73, %dma_start3A_104] : memref<180x56xi32, #tpu.memory_space<vmem>> -> memref<1x56xi32, #tpu.memory_space<vmem>>
      %dma_start3A_106 = tpu.memref_squeeze %dma_start3A_105 : memref<1x56xi32, #tpu.memory_space<vmem>> -> memref<56xi32, #tpu.memory_space<vmem>>
      %dma_start3A_107 = arith.constant 0 : i32
      %dma_start3A_108 = arith.constant 0 : i32
      %dma_start3A_109 = tpu.memref_slice %arg6[%dma_start3A_107, %dma_start3A_108] : memref<10016x128xf32, #tpu.memory_space<vmem_shared>> -> memref<10016x128xf32, #tpu.memory_space<vmem_shared>>
      tpu.enqueue_indirect_dma source(%arg10 : memref<56x128xf32, #tpu.memory_space<vmem>>) target(%dma_start3A_109 : memref<10016x128xf32, #tpu.memory_space<vmem_shared>>) offsets(%dma_start3A_106 : memref<56xi32, #tpu.memory_space<vmem>>) semaphore(%run_scoped3A_103 : memref<!tpu.dma_semaphore, #tpu.memory_space<semaphore_mem>>) {add = true}
      %dma_wait3A_110 = arith.constant 0 : i32
      %dma_wait3A_111 = tpu.memref_slice %arg8[%run_scoped3A_73, %dma_wait3A_110] : memref<180x56xi32, #tpu.memory_space<vmem>> -> memref<1x56xi32, #tpu.memory_space<vmem>>
      %dma_wait3A_112 = tpu.memref_squeeze %dma_wait3A_111 : memref<1x56xi32, #tpu.memory_space<vmem>> -> memref<56xi32, #tpu.memory_space<vmem>>
      %dma_wait3A_113 = arith.constant 0 : i32
      %dma_wait3A_114 = arith.constant 0 : i32
      %dma_wait3A_115 = tpu.memref_slice %arg6[%dma_wait3A_113, %dma_wait3A_114] : memref<10016x128xf32, #tpu.memory_space<vmem_shared>> -> memref<10016x128xf32, #tpu.memory_space<vmem_shared>>
      tpu.wait_indirect_dma semaphore(%run_scoped3A_103 : memref<!tpu.dma_semaphore, #tpu.memory_space<semaphore_mem>>) src(%arg10 : memref<56x128xf32, #tpu.memory_space<vmem>>) dst(%dma_wait3A_115 : memref<10016x128xf32, #tpu.memory_space<vmem_shared>>)
      tpu.yield
    }) : () -> ()
    %dma_wait3A_74 = arith.constant 178 : i32
    %dma_wait3A_75 = arith.constant 0 : i32
    %dma_wait3A_76 = tpu.memref_slice %arg7[%dma_wait3A_74, %dma_wait3A_75] : memref<180x56xi32, #tpu.memory_space<vmem>> -> memref<1x56xi32, #tpu.memory_space<vmem>>
    %dma_wait3A_77 = tpu.memref_squeeze %dma_wait3A_76 : memref<1x56xi32, #tpu.memory_space<vmem>> -> memref<56xi32, #tpu.memory_space<vmem>>
    %dma_wait3A_78 = arith.constant 0 : i32
    %dma_wait3A_79 = arith.constant 0 : i32
    %dma_wait3A_80 = tpu.memref_slice %arg2[%arg0, %dma_wait3A_78, %dma_wait3A_79] : memref<2x10000x128xf32, #tpu.memory_space<hbm>> -> memref<1x10000x128xf32, #tpu.memory_space<hbm>>
    %dma_wait3A_81 = tpu.memref_squeeze %dma_wait3A_80 : memref<1x10000x128xf32, #tpu.memory_space<hbm>> -> memref<10000x128xf32, #tpu.memory_space<hbm>>
    %dma_wait3A_82 = arith.constant 0 : i32
    %dma_wait3A_83 = arith.constant 0 : i32
    %dma_wait3A_84 = tpu.memref_slice %dma_wait3A_81[%dma_wait3A_82, %dma_wait3A_83] : memref<10000x128xf32, #tpu.memory_space<hbm>> -> memref<10000x128xf32, #tpu.memory_space<hbm>>
    tpu.wait_indirect_dma semaphore(%arg15 : memref<!tpu.dma_semaphore, #tpu.memory_space<semaphore_mem>>) src(%dma_wait3A_84 : memref<10000x128xf32, #tpu.memory_space<hbm>>) dst(%arg11 : memref<56x128xf32, #tpu.memory_space<vmem>>)
    %run_scoped3A_85 = arith.constant 178 : i32
    "tpu.region"() ({
      %run_scoped3A_103 = tpu.sem_alloc : memref<!tpu.dma_semaphore, #tpu.memory_space<semaphore_mem>>
      %dma_start3A_104 = arith.constant 0 : i32
      %dma_start3A_105 = tpu.memref_slice %arg8[%run_scoped3A_85, %dma_start3A_104] : memref<180x56xi32, #tpu.memory_space<vmem>> -> memref<1x56xi32, #tpu.memory_space<vmem>>
      %dma_start3A_106 = tpu.memref_squeeze %dma_start3A_105 : memref<1x56xi32, #tpu.memory_space<vmem>> -> memref<56xi32, #tpu.memory_space<vmem>>
      %dma_start3A_107 = arith.constant 0 : i32
      %dma_start3A_108 = arith.constant 0 : i32
      %dma_start3A_109 = tpu.memref_slice %arg6[%dma_start3A_107, %dma_start3A_108] : memref<10016x128xf32, #tpu.memory_space<vmem_shared>> -> memref<10016x128xf32, #tpu.memory_space<vmem_shared>>
      tpu.enqueue_indirect_dma source(%arg11 : memref<56x128xf32, #tpu.memory_space<vmem>>) target(%dma_start3A_109 : memref<10016x128xf32, #tpu.memory_space<vmem_shared>>) offsets(%dma_start3A_106 : memref<56xi32, #tpu.memory_space<vmem>>) semaphore(%run_scoped3A_103 : memref<!tpu.dma_semaphore, #tpu.memory_space<semaphore_mem>>) {add = true}
      %dma_wait3A_110 = arith.constant 0 : i32
      %dma_wait3A_111 = tpu.memref_slice %arg8[%run_scoped3A_85, %dma_wait3A_110] : memref<180x56xi32, #tpu.memory_space<vmem>> -> memref<1x56xi32, #tpu.memory_space<vmem>>
      %dma_wait3A_112 = tpu.memref_squeeze %dma_wait3A_111 : memref<1x56xi32, #tpu.memory_space<vmem>> -> memref<56xi32, #tpu.memory_space<vmem>>
      %dma_wait3A_113 = arith.constant 0 : i32
      %dma_wait3A_114 = arith.constant 0 : i32
      %dma_wait3A_115 = tpu.memref_slice %arg6[%dma_wait3A_113, %dma_wait3A_114] : memref<10016x128xf32, #tpu.memory_space<vmem_shared>> -> memref<10016x128xf32, #tpu.memory_space<vmem_shared>>
      tpu.wait_indirect_dma semaphore(%run_scoped3A_103 : memref<!tpu.dma_semaphore, #tpu.memory_space<semaphore_mem>>) src(%arg11 : memref<56x128xf32, #tpu.memory_space<vmem>>) dst(%dma_wait3A_115 : memref<10016x128xf32, #tpu.memory_space<vmem_shared>>)
      tpu.yield
    }) : () -> ()
    %dma_wait3A_86 = arith.constant 179 : i32
    %dma_wait3A_87 = arith.constant 0 : i32
    %dma_wait3A_88 = tpu.memref_slice %arg7[%dma_wait3A_86, %dma_wait3A_87] : memref<180x56xi32, #tpu.memory_space<vmem>> -> memref<1x56xi32, #tpu.memory_space<vmem>>
    %dma_wait3A_89 = tpu.memref_squeeze %dma_wait3A_88 : memref<1x56xi32, #tpu.memory_space<vmem>> -> memref<56xi32, #tpu.memory_space<vmem>>
    %dma_wait3A_90 = arith.constant 0 : i32
    %dma_wait3A_91 = arith.constant 0 : i32
    %dma_wait3A_92 = tpu.memref_slice %arg2[%arg0, %dma_wait3A_90, %dma_wait3A_91] : memref<2x10000x128xf32, #tpu.memory_space<hbm>> -> memref<1x10000x128xf32, #tpu.memory_space<hbm>>
    %dma_wait3A_93 = tpu.memref_squeeze %dma_wait3A_92 : memref<1x10000x128xf32, #tpu.memory_space<hbm>> -> memref<10000x128xf32, #tpu.memory_space<hbm>>
    %dma_wait3A_94 = arith.constant 0 : i32
    %dma_wait3A_95 = arith.constant 0 : i32
    %dma_wait3A_96 = tpu.memref_slice %dma_wait3A_93[%dma_wait3A_94, %dma_wait3A_95] : memref<10000x128xf32, #tpu.memory_space<hbm>> -> memref<10000x128xf32, #tpu.memory_space<hbm>>
    tpu.wait_indirect_dma semaphore(%arg16 : memref<!tpu.dma_semaphore, #tpu.memory_space<semaphore_mem>>) src(%dma_wait3A_96 : memref<10000x128xf32, #tpu.memory_space<hbm>>) dst(%arg12 : memref<56x128xf32, #tpu.memory_space<vmem>>)
    %run_scoped3A_97 = arith.constant 179 : i32
    "tpu.region"() ({
      %run_scoped3A_103 = tpu.sem_alloc : memref<!tpu.dma_semaphore, #tpu.memory_space<semaphore_mem>>
      %dma_start3A_104 = arith.constant 0 : i32
      %dma_start3A_105 = tpu.memref_slice %arg8[%run_scoped3A_97, %dma_start3A_104] : memref<180x56xi32, #tpu.memory_space<vmem>> -> memref<1x56xi32, #tpu.memory_space<vmem>>
      %dma_start3A_106 = tpu.memref_squeeze %dma_start3A_105 : memref<1x56xi32, #tpu.memory_space<vmem>> -> memref<56xi32, #tpu.memory_space<vmem>>
      %dma_start3A_107 = arith.constant 0 : i32
      %dma_start3A_108 = arith.constant 0 : i32
      %dma_start3A_109 = tpu.memref_slice %arg6[%dma_start3A_107, %dma_start3A_108] : memref<10016x128xf32, #tpu.memory_space<vmem_shared>> -> memref<10016x128xf32, #tpu.memory_space<vmem_shared>>
      tpu.enqueue_indirect_dma source(%arg12 : memref<56x128xf32, #tpu.memory_space<vmem>>) target(%dma_start3A_109 : memref<10016x128xf32, #tpu.memory_space<vmem_shared>>) offsets(%dma_start3A_106 : memref<56xi32, #tpu.memory_space<vmem>>) semaphore(%run_scoped3A_103 : memref<!tpu.dma_semaphore, #tpu.memory_space<semaphore_mem>>) {add = true}
      %dma_wait3A_110 = arith.constant 0 : i32
      %dma_wait3A_111 = tpu.memref_slice %arg8[%run_scoped3A_97, %dma_wait3A_110] : memref<180x56xi32, #tpu.memory_space<vmem>> -> memref<1x56xi32, #tpu.memory_space<vmem>>
      %dma_wait3A_112 = tpu.memref_squeeze %dma_wait3A_111 : memref<1x56xi32, #tpu.memory_space<vmem>> -> memref<56xi32, #tpu.memory_space<vmem>>
      %dma_wait3A_113 = arith.constant 0 : i32
      %dma_wait3A_114 = arith.constant 0 : i32
      %dma_wait3A_115 = tpu.memref_slice %arg6[%dma_wait3A_113, %dma_wait3A_114] : memref<10016x128xf32, #tpu.memory_space<vmem_shared>> -> memref<10016x128xf32, #tpu.memory_space<vmem_shared>>
      tpu.wait_indirect_dma semaphore(%run_scoped3A_103 : memref<!tpu.dma_semaphore, #tpu.memory_space<semaphore_mem>>) src(%arg12 : memref<56x128xf32, #tpu.memory_space<vmem>>) dst(%dma_wait3A_115 : memref<10016x128xf32, #tpu.memory_space<vmem_shared>>)
      tpu.yield
    }) : () -> ()
    %barrier3A_98 = arith.constant 0 : index
    tpu.barrier barrier_id(%barrier3A_98)
    %mul3A_99 = arith.constant 625 : i32
    %mul3A_100 = arith.muli %arg1, %mul3A_99 : i32
    %mul3A_101 = arith.constant 625 : i32
    %mul3A_102 = arith.muli %arg1, %mul3A_101 : i32
    "tpu.region"() ({
      %run_scoped3A_103 = tpu.sem_alloc : memref<!tpu.dma_semaphore, #tpu.memory_space<semaphore_mem>>
      %dma_start3A_104 = arith.constant 0 : i32
      %dma_start3A_105 = arith.constant 0 : i32
      %dma_start3A_106 = tpu.memref_slice %arg5[%arg0, %dma_start3A_104, %dma_start3A_105] : memref<2x10000x128xf32, #tpu.memory_space<hbm>> -> memref<1x10000x128xf32, #tpu.memory_space<hbm>>
      %dma_start3A_107 = tpu.memref_squeeze %dma_start3A_106 : memref<1x10000x128xf32, #tpu.memory_space<hbm>> -> memref<10000x128xf32, #tpu.memory_space<hbm>>
      %dma_start3A_108 = arith.constant 0 : i32
      %dma_start3A_109 = tpu.memref_slice %dma_start3A_107[%mul3A_102, %dma_start3A_108] : memref<10000x128xf32, #tpu.memory_space<hbm>> -> memref<625x128xf32, #tpu.memory_space<hbm>>
      %dma_start3A_110 = arith.constant 0 : i32
      %dma_start3A_111 = tpu.memref_slice %arg6[%mul3A_100, %dma_start3A_110] : memref<10016x128xf32, #tpu.memory_space<vmem_shared>> -> memref<625x128xf32, #tpu.memory_space<vmem_shared>>
      tpu.enqueue_dma source(%dma_start3A_111 : memref<625x128xf32, #tpu.memory_space<vmem_shared>>) target(%dma_start3A_109 : memref<625x128xf32, #tpu.memory_space<hbm>>) target_semaphore(%run_scoped3A_103 : memref<!tpu.dma_semaphore, #tpu.memory_space<semaphore_mem>>)
      %dma_wait3A_112 = arith.constant 0 : i32
      %dma_wait3A_113 = arith.constant 0 : i32
      %dma_wait3A_114 = tpu.memref_slice %arg5[%arg0, %dma_wait3A_112, %dma_wait3A_113] : memref<2x10000x128xf32, #tpu.memory_space<hbm>> -> memref<1x10000x128xf32, #tpu.memory_space<hbm>>
      %dma_wait3A_115 = tpu.memref_squeeze %dma_wait3A_114 : memref<1x10000x128xf32, #tpu.memory_space<hbm>> -> memref<10000x128xf32, #tpu.memory_space<hbm>>
      %dma_wait3A_116 = arith.constant 0 : i32
      %dma_wait3A_117 = tpu.memref_slice %dma_wait3A_115[%mul3A_102, %dma_wait3A_116] : memref<10000x128xf32, #tpu.memory_space<hbm>> -> memref<625x128xf32, #tpu.memory_space<hbm>>
      %dma_wait3A_118 = arith.constant 0 : i32
      %dma_wait3A_119 = tpu.memref_slice %arg6[%mul3A_100, %dma_wait3A_118] : memref<10016x128xf32, #tpu.memory_space<vmem_shared>> -> memref<625x128xf32, #tpu.memory_space<vmem_shared>>
      tpu.wait_dma2 semaphore(%run_scoped3A_103 : memref<!tpu.dma_semaphore, #tpu.memory_space<semaphore_mem>>) src(%dma_wait3A_119 : memref<625x128xf32, #tpu.memory_space<vmem_shared>>) dst(%dma_wait3A_117 : memref<625x128xf32, #tpu.memory_space<hbm>>)
      tpu.yield
    }) : () -> ()
    return
  }
}

module attributes {stable_mosaic.version = 14 : i64} {
  func.func @_h_body(%arg0: i32, %arg1: memref<2000x256xf32, #tpu.memory_space<vmem>>, %arg2: memref<256x256xf32, #tpu.memory_space<vmem>>, %arg3: memref<2000x32xf32, #tpu.memory_space<vmem>>, %arg4: memref<2x2000x128xf32, #tpu.memory_space<vmem>>) attributes {dimension_semantics = [#tpu.dimension_semantics<arbitrary>], iteration_bounds = array<i64: 5>, scalar_prefetch = 0 : i64, scratch_operands = 0 : i64, tpu.core_type = #tpu.core_type<tc>, window_params = [{transform_indices = @transform_0, window_bounds = array<i64: 2000, 256>}, {pipeline_mode = #tpu.pipeline_mode<synchronous>, transform_indices = @transform_1, window_bounds = array<i64: 256, 256>}, {transform_indices = @transform_2, window_bounds = array<i64: 2000, 32>}, {transform_indices = @transform_3, window_bounds = array<i64: 2, 2000, 128>}]} {
    %get3A = arith.constant 0 : index
    %get3A_0 = arith.constant 0 : index
    %get3A_1 = vector.load %arg3[%get3A, %get3A_0] : memref<2000x32xf32, #tpu.memory_space<vmem>>, vector<2000x32xf32>
    %reduce_sum3A = arith.constant dense<0.000000e+00> : vector<2000xf32>
    %reduce_sum3A_2 = vector.multi_reduction <add>, %get3A_1, %reduce_sum3A [1] : vector<2000x32xf32> to vector<2000xf32>
    %add3A = arith.constant 1.000000e+00 : f32
    %add3A_3 = vector.broadcast %add3A : f32 to vector<2000xf32>
    %add3A_4 = arith.addf %add3A_3, %reduce_sum3A_2 : vector<2000xf32>
    %rsqrt3A = math.rsqrt %add3A_4 : vector<2000xf32>
    %get3A_5 = arith.constant 0 : index
    %get3A_6 = arith.constant 0 : index
    %get3A_7 = vector.load %arg1[%get3A_5, %get3A_6] : memref<2000x256xf32, #tpu.memory_space<vmem>>, vector<2000x256xf32>
    %get3A_8 = arith.constant 0 : index
    %get3A_9 = arith.constant 0 : index
    %get3A_10 = vector.load %arg2[%get3A_8, %get3A_9] : memref<256x256xf32, #tpu.memory_space<vmem>>, vector<256x256xf32>
    %dot_general3A = arith.constant dense<0.000000e+00> : vector<2000x256xf32>
    %dot_general3A_11 = tpu.matmul %get3A_7, %get3A_10, %dot_general3A {dimension_numbers = #tpu.dot_dimension_numbers<[1], [0], [0], [1], [0, 0, 1, 1], [], []>, transpose_lhs_hint = false} : vector<2000x256xf32>, vector<256x256xf32>, vector<2000x256xf32> -> vector<2000x256xf32>
    %broadcast_in_dim3A = vector.shape_cast %rsqrt3A : vector<2000xf32> to vector<2000x1xf32>
    %mul3A = vector.broadcast %broadcast_in_dim3A : vector<2000x1xf32> to vector<2000x256xf32>
    %mul3A_12 = arith.mulf %dot_general3A_11, %mul3A : vector<2000x256xf32>
    %slice3A = vector.extract_strided_slice %mul3A_12 {offsets = [0, 0], sizes = [2000, 128], strides = [1, 1]} : vector<2000x256xf32> to vector<2000x128xf32>
    %slice3A_13 = vector.extract_strided_slice %mul3A_12 {offsets = [0, 128], sizes = [2000, 128], strides = [1, 1]} : vector<2000x256xf32> to vector<2000x128xf32>
    %stack3A = vector.shape_cast %slice3A : vector<2000x128xf32> to vector<1x2000x128xf32>
    %stack3A_14 = vector.shape_cast %slice3A_13 : vector<2000x128xf32> to vector<1x2000x128xf32>
    %stack3A_15 = tpu.concatenate %stack3A, %stack3A_14 in 0 : vector<1x2000x128xf32>, vector<1x2000x128xf32> -> vector<2x2000x128xf32>
    %swap3A = arith.constant 0 : index
    %swap3A_16 = arith.constant 0 : index
    %swap3A_17 = arith.constant 0 : index
    %swap3A_18 = vector.load %arg4[%swap3A, %swap3A_16, %swap3A_17] : memref<2x2000x128xf32, #tpu.memory_space<vmem>>, vector<2x2000x128xf32>
    tpu.vector_store %arg4[%swap3A, %swap3A_16, %swap3A_17], %stack3A_15 {strides = array<i32>} : memref<2x2000x128xf32, #tpu.memory_space<vmem>>, vector<2x2000x128xf32>,
    return
  }
  func.func @transform_0(%arg0: i32) -> (i32, i32) {
    %c0_i32 = arith.constant 0 : i32
    %c0_i32_0 = arith.constant 0 : i32
    return %arg0, %c0_i32 : i32, i32
  }
  func.func @transform_1(%arg0: i32) -> (i32, i32) {
    %c0_i32 = arith.constant 0 : i32
    %c0_i32_0 = arith.constant 0 : i32
    %c0_i32_1 = arith.constant 0 : i32
    return %c0_i32, %c0_i32_0 : i32, i32
  }
  func.func @transform_2(%arg0: i32) -> (i32, i32) {
    %c0_i32 = arith.constant 0 : i32
    %c0_i32_0 = arith.constant 0 : i32
    return %arg0, %c0_i32 : i32, i32
  }
  func.func @transform_3(%arg0: i32) -> (i32, i32, i32) {
    %c0_i32 = arith.constant 0 : i32
    %c0_i32_0 = arith.constant 0 : i32
    %c0_i32_1 = arith.constant 0 : i32
    return %c0_i32, %arg0, %c0_i32_0 : i32, i32, i32
  }
}

module attributes {stable_mosaic.version = 14 : i64} {
  func.func @_out_body(%arg0: i32, %arg1: memref<2x2000x128xf32, #tpu.memory_space<vmem>>, %arg2: memref<2000x32xf32, #tpu.memory_space<vmem>>, %arg3: memref<1x256xf32, #tpu.memory_space<vmem>>, %arg4: memref<2000x256xf32, #tpu.memory_space<vmem>>) attributes {dimension_semantics = [#tpu.dimension_semantics<arbitrary>], iteration_bounds = array<i64: 5>, scalar_prefetch = 0 : i64, scratch_operands = 0 : i64, tpu.core_type = #tpu.core_type<tc>, window_params = [{transform_indices = @transform_0, window_bounds = array<i64: 2, 2000, 128>}, {transform_indices = @transform_1, window_bounds = array<i64: 2000, 32>}, {pipeline_mode = #tpu.pipeline_mode<synchronous>, transform_indices = @transform_2, window_bounds = array<i64: 1, 256>}, {transform_indices = @transform_3, window_bounds = array<i64: 2000, 256>}]} {
    %get3A = arith.constant 0 : index
    %get3A_0 = arith.constant 0 : index
    %get3A_1 = vector.load %arg2[%get3A, %get3A_0] : memref<2000x32xf32, #tpu.memory_space<vmem>>, vector<2000x32xf32>
    %reduce_sum3A = arith.constant dense<0.000000e+00> : vector<2000xf32>
    %reduce_sum3A_2 = vector.multi_reduction <add>, %get3A_1, %reduce_sum3A [1] : vector<2000x32xf32> to vector<2000xf32>
    %add3A = arith.constant 1.000000e+00 : f32
    %add3A_3 = vector.broadcast %add3A : f32 to vector<2000xf32>
    %add3A_4 = arith.addf %add3A_3, %reduce_sum3A_2 : vector<2000xf32>
    %rsqrt3A = math.rsqrt %add3A_4 : vector<2000xf32>
    %get3A_5 = arith.constant 0 : index
    %get3A_6 = arith.constant 0 : index
    %get3A_7 = arith.constant 0 : index
    %get3A_8 = vector.load %arg1[%get3A_5, %get3A_6, %get3A_7] : memref<2x2000x128xf32, #tpu.memory_space<vmem>>, vector<1x2000x128xf32>
    %get3A_9 = vector.shape_cast %get3A_8 : vector<1x2000x128xf32> to vector<2000x128xf32>
    %get3A_10 = arith.constant 1 : index
    %get3A_11 = arith.constant 0 : index
    %get3A_12 = arith.constant 0 : index
    %get3A_13 = vector.load %arg1[%get3A_10, %get3A_11, %get3A_12] : memref<2x2000x128xf32, #tpu.memory_space<vmem>>, vector<1x2000x128xf32>
    %get3A_14 = vector.shape_cast %get3A_13 : vector<1x2000x128xf32> to vector<2000x128xf32>
    %concatenate3A = tpu.concatenate %get3A_9, %get3A_14 in 1 : vector<2000x128xf32>, vector<2000x128xf32> -> vector<2000x256xf32>
    %broadcast_in_dim3A = vector.shape_cast %rsqrt3A : vector<2000xf32> to vector<2000x1xf32>
    %mul3A = vector.broadcast %broadcast_in_dim3A : vector<2000x1xf32> to vector<2000x256xf32>
    %mul3A_15 = arith.mulf %concatenate3A, %mul3A : vector<2000x256xf32>
    %get3A_16 = arith.constant 0 : index
    %get3A_17 = arith.constant 0 : index
    %get3A_18 = vector.load %arg3[%get3A_16, %get3A_17] : memref<1x256xf32, #tpu.memory_space<vmem>>, vector<1x256xf32>
    %add3A_19 = vector.broadcast %get3A_18 : vector<1x256xf32> to vector<2000x256xf32>
    %add3A_20 = arith.addf %mul3A_15, %add3A_19 : vector<2000x256xf32>
    %swap3A = arith.constant 0 : index
    %swap3A_21 = arith.constant 0 : index
    %swap3A_22 = vector.load %arg4[%swap3A, %swap3A_21] : memref<2000x256xf32, #tpu.memory_space<vmem>>, vector<2000x256xf32>
    tpu.vector_store %arg4[%swap3A, %swap3A_21], %add3A_20 {strides = array<i32>} : memref<2000x256xf32, #tpu.memory_space<vmem>>, vector<2000x256xf32>,
    return
  }
  func.func @transform_0(%arg0: i32) -> (i32, i32, i32) {
    %c0_i32 = arith.constant 0 : i32
    %c0_i32_0 = arith.constant 0 : i32
    %c0_i32_1 = arith.constant 0 : i32
    return %c0_i32, %arg0, %c0_i32_0 : i32, i32, i32
  }
  func.func @transform_1(%arg0: i32) -> (i32, i32) {
    %c0_i32 = arith.constant 0 : i32
    %c0_i32_0 = arith.constant 0 : i32
    return %arg0, %c0_i32 : i32, i32
  }
  func.func @transform_2(%arg0: i32) -> (i32, i32) {
    %c0_i32 = arith.constant 0 : i32
    %c0_i32_0 = arith.constant 0 : i32
    %c0_i32_1 = arith.constant 0 : i32
    return %c0_i32, %c0_i32_0 : i32, i32
  }
  func.func @transform_3(%arg0: i32) -> (i32, i32) {
    %c0_i32 = arith.constant 0 : i32
    %c0_i32_0 = arith.constant 0 : i32
    return %arg0, %c0_i32 : i32, i32
  }
}

</mosaic_0001>

<sc_bundles>
// kernel: kernel.6.cloned.1.call-start
scs
__scs_entry_jumppad:
0x0: {  	(pc) =	sbr.rel $0x88, $3  }
0x1: {  	(tag) =	ssettag $0x0;
	lr =	simm.s32 $0x1  }
0x2: {  	[smem:$0x3F9D] =	sst lr;
	_ =	strace $0xD0000000  }
0x3: {  	_ = 	snop  }
0x4: {  	_ = 	snop  }
0x5: {  	_ = 	snop  }
0x6: {  	_ = 	snop  }
0x7: {  	_ = 	snop  }
__scs_overlays_trampoline_lowered:
0x8: {  	[smem:$0x3FAC] =	sst s0  }
0x9: {  	[smem:$0x3FAD] =	sst s1  }
0xa: {  	[smem:$0x3FAE] =	sst s2  }
0xb: {  	[smem:$0x3FAF] =	sst s3  }
0xc: {  	[smem:$0x3FB0] =	sst s4  }
0xd: {  	[smem:$0x3FB1] =	sst s5  }
0xe: {  	[smem:$0x3FB2] =	sst s6  }
0xf: {  	[smem:$0x3FB3] =	sst s7  }
0x10: {  	[smem:$0x3FB4] =	sst s8  }
0x11: {  	[smem:$0x3FB5] =	sst s9;
	s0 =	simm.s32 @!p0 $0x0  }
0x12: {  	s1 =	sld [smem:$0x3F9B];
	s0 =	simm.s32 @p0 $0x1  }
0x13: {  	[smem:$0x3FB6] =	sst s0;
	s0 =	simm.s32 @!p1 $0x0  }
0x14: {  	s2 =	sld [smem:$0x3F9A];
	s0 =	simm.s32 @p1 $0x1  }
0x15: {  	[smem:$0x3FB7] =	sst s0;
	s0 =	simm.s32 @!p2 $0x0  }
0x16: {  	s3 =	sld [smem:$0x3FDB];
	s0 =	simm.s32 @p2 $0x1  }
0x17: {  	s4 =	simm.s32 $0x1BF5;
	[smem:$0x3FB9] =	sst s0  }
0x18: {  	s0 =	sld [smem:$0x3F9C];
	_ =	swait.ge [sflag:s4], $0x0  }
0x19: {  	s7 =	sld [smem:$0x3F9D]  }
0x1a: {  	s8 =	sadd.s32 $0xFFFFE003, lr  }
0x1b: {  	s9 =	sadd.s32 $0xFFFFFEF7, lr;
	s5 =	simm.s32 $0xFFFFFFFF;
	p2 =	slt.u32 s8, $0xFFFFF086  }
0x1c: {  	p1 =	slt.u32 s9, $0xF7A;
	s5 =	simm.s32 @!p2 $0x0  }
0x1d: {  	s5 =	simm.s32 @p1 $0x1;
	p0 =	seq.s32 s7, s2  }
0x1e: {  	s7 =	smul.u32 @!p0 $0xF7A, s2;
	p2 =	seq.s32 @!p0 s5, $0x0  }
0x1f: {  	s9 =	smul.u32 $0xF7A, s1;
	s8 =	simm.s32 @!p0 $0x1BF5;
	p2 =	por !p2, p0  }
0x20: {  	[sflag:s8] =	ssyncset.s32 @!p0 $0xFFFFF086;
	s6 =	sadd.s32 @!p0 s3, s7;
	s7 =	simm.s32 @!p0 $0x108  }
0x21: {  	s3 =	sadd.s32 s3, s9;
	s6 =	sadd.s32 @!p0 $0x88, s6;
	s7 =	simm.s32 @p2 $0x1082  }
0x22: {  	[simem:s7], [sflag:s8] =	dma.local @!p0 [hbm:s6], $0xF7A  }
0x23: {  	s9 =	sor.u32 $0xD0000000, s2;
	s6 =	simm.s32 $0x108;
	_ =	swait.ge @!p0 [sflag:s8], $0x0  }
0x24: {  	s3 =	sadd.s32 $0x88, s3;
	s6 =	simm.s32 @!p1 $0x1082;
	[sflag:s4] =	ssyncset.s32 $0xFFFFF086  }
0x25: {  	[simem:s6], [sflag:s4] =	dma.local [hbm:s3], $0xF7A  }
0x26: {  	[smem:$0x3F9D] =	sst s1;
	(tag) =	ssettag s2;
	_ =	strace s9  }
0x27: {  	s1 =	sld [smem:$0x3FAD]  }
0x28: {  	s2 =	sld [smem:$0x3FAE]  }
0x29: {  	s4 =	sld [smem:$0x3FB0]  }
0x2a: {  	p0 =	seq.s32 s5, $0x0;
	s5 =	sld [smem:$0x3FB1]  }
0x2b: {  	s6 =	sld [smem:$0x3FB2]  }
0x2c: {  	s7 =	sld [smem:$0x3FB3]  }
0x2d: {  	s3 =	simm.s32 $0x108;
	s8 =	sld [smem:$0x3FB4]  }
0x2e: {  	s3 =	simm.s32 @!p0 $0x1082;
	s9 =	sld [smem:$0x3FB5]  }
0x2f: {  	lr =	sadd.s32 s0, s3;
	s0 =	sld [smem:$0x3FAC]  }
0x30: {  	s3 =	sld [smem:$0x3FAF]  }
0x31: {  	[smem:$0x3FB8] =	sst s10  }
0x32: {  	s10 =	sld [smem:$0x3FB6];
	_ =	sdelay $0x3  }
0x33: {  	p0 =	seq.s32 s10, $0x1;
	s10 =	sld [smem:$0x3FB8];
	_ =	sdelay $0x3  }
0x34: {  	[smem:$0x3FB8] =	sst s10  }
0x35: {  	s10 =	sld [smem:$0x3FB7];
	_ =	sdelay $0x3  }
0x36: {  	p1 =	seq.s32 s10, $0x1;
	s10 =	sld [smem:$0x3FB8];
	_ =	sdelay $0x3  }
0x37: {  	[smem:$0x3FB8] =	sst s10  }
0x38: {  	s10 =	sld [smem:$0x3FB9]  }
0x39: {  	_ = 	snop;
	(pc) =	sbr.ind lr, $3  }
0x3a: {  	_ = 	snop  }
0x3b: {  	_ = 	snop  }
0x3c: {  	p2 =	seq.s32 s10, $0x1;
	s10 =	sld [smem:$0x3FB8]  }
0x3d: {  	_ =	shalt  }
0x3e: {  	_ =	shalt  }
0x3f: {  	_ =	shalt  }
0x40: {  	_ =	shalt  }
0x41: {  	_ =	shalt  }
0x42: {  	_ =	shalt  }
0x43: {  	_ =	shalt  }
0x44: {  	_ =	shalt  }
0x45: {  	_ =	shalt  }
0x46: {  	_ =	shalt  }
0x47: {  	_ =	shalt  }
0x48: {  	_ =	shalt  }
0x49: {  	_ =	shalt  }
0x4a: {  	_ =	shalt  }
0x4b: {  	_ =	shalt  }
0x4c: {  	_ =	shalt  }
0x4d: {  	_ =	shalt  }
0x4e: {  	_ =	shalt  }
0x4f: {  	_ =	shalt  }
0x50: {  	_ =	shalt  }
0x51: {  	_ =	shalt  }
0x52: {  	_ =	shalt  }
0x53: {  	_ =	shalt  }
0x54: {  	_ =	shalt  }
0x55: {  	_ =	shalt  }
0x56: {  	_ =	shalt  }
0x57: {  	_ =	shalt  }
0x58: {  	_ =	shalt  }
0x59: {  	_ =	shalt  }
0x5a: {  	_ =	shalt  }
0x5b: {  	_ =	shalt  }
0x5c: {  	_ =	shalt  }
0x5d: {  	_ =	shalt  }
0x5e: {  	_ =	shalt  }
0x5f: {  	_ =	shalt  }
0x60: {  	_ =	shalt  }
0x61: {  	_ =	shalt  }
0x62: {  	_ =	shalt  }
0x63: {  	_ =	shalt  }
0x64: {  	_ =	shalt  }
0x65: {  	_ =	shalt  }
0x66: {  	_ =	shalt  }
0x67: {  	_ =	shalt  }
0x68: {  	_ =	shalt  }
0x69: {  	_ =	shalt  }
0x6a: {  	_ =	shalt  }
0x6b: {  	_ =	shalt  }
0x6c: {  	_ =	shalt  }
0x6d: {  	_ =	shalt  }
0x6e: {  	_ =	shalt  }
0x6f: {  	_ =	shalt  }
0x70: {  	_ =	shalt  }
0x71: {  	_ =	shalt  }
0x72: {  	_ =	shalt  }
0x73: {  	_ =	shalt  }
0x74: {  	_ =	shalt  }
0x75: {  	_ =	shalt  }
0x76: {  	_ =	shalt  }
0x77: {  	_ =	shalt  }
0x78: {  	_ =	shalt  }
0x79: {  	_ =	shalt  }
0x7a: {  	_ =	shalt  }
0x7b: {  	_ =	shalt  }
0x7c: {  	_ =	shalt  }
0x7d: {  	_ =	shalt  }
0x7e: {  	_ =	shalt  }
0x7f: {  	_ =	shalt  }
0x80: {  	_ =	shalt  }
0x81: {  	_ =	shalt  }
0x82: {  	_ =	shalt  }
0x83: {  	_ =	shalt  }
0x84: {  	_ =	shalt  }
0x85: {  	_ =	shalt  }
0x86: {  	_ =	shalt  }
0x87: {  	_ =	shalt  }
.Lfunc_end0:
.L_simem_size_0:
called_computation_lowered:
.L_overlay_start_0:
0x88: {  	s2 =	sld [smem:$0x3FD9]  }
0x89: {  	s3 =	sld [smem:$0x3FFE];
	_ =	sdelay $0x1  }
0x8a: {  	s1 =	srdreg.scid  }
0x8b: {  	s0 =	sand.u32 $0x1, s1  }
0x8c: {  	s17 =	sshll.u32 s0, $0xA;
	s2 =	sadd.s32 s3, s2  }
0x8d: {  	s2 =	sadd.s32 s2, s17  }
0x8e: {  	[smem:$0x3FC4] =	sst s2  }
0x8f: {  	_ = 	snop  }
0x90: {  	s2 =	sld [smem:$0x3FD0];
	(tm) =	ssettm $0x1  }
0x91: {  	s18 =	sld [smem:$0x3FFB];
	_ =	sdelay $0x3  }
0x92: {  	_ =	strace s18  }
0x93: {  	s3 =	sld [smem:$0x3FFC];
	_ =	sdelay $0x3  }
0x94: {  	_ =	strace s3  }
0x95: {  	s3 =	sld [smem:$0x3FFD];
	_ =	sdelay $0x3  }
0x96: {  	_ =	strace s3  }
0x97: {  	_ =	strace $0x8FFFFFFF  }
0x98: {  	s19 =	sld [smem:$0x3FDB];
	_ =	sdelay $0x1  }
0x99: {  	s4 =	simm.s32 $_scs_section_size  }
0x9a: {  	s5 =	simm.s32 $_size__tile_overlayer_lowered;
	s6 =	simm.s32 $_tile_overlayer_lowered  }
0x9b: {  	s22 =	simm.s32 $0x1BFF;
	s21 =	sshll.u32 s6, $0x1;
	s3 =	sadd.s32 s4, s19  }
0x9c: {  	s7 =	simm.s32 $0x0;
	s20 =	sshll.u32 s5, $0x1;
	s5 =	sadd.s32 s21, s3  }
0x9d: {  	[timem:s7], [sflag:s22] =	dma.local [hbm:s5], s20  }
0x9e: {  	_ =	swait.ge [sflag:s22], s20  }
0x9f: {  	s4 =	ssub.s32 $0x0, s20;
	[sflag:s22] =	ssyncset.done $0x0  }
0xa0: {  	[sflag:s22] =	ssyncadd.s32 s4;
	_ =	sdelay $0x1  }
0xa1: {  	s23 =	simm.s32 $0x1B8B  }
0xa2: {  	_ =	swait.ge [sflag:s23], $0x1  }
0xa3: {  	[sflag:s23] =	ssyncset.done $0x0  }
0xa4: {  	s25 =	simm.s32 $0x1B8E;
	s24 =	sld [smem:$0x3FFE];
	[sflag:s23] =	ssyncadd.s32 $0xFFFFFFFF  }
0xa5: {  	s26 =	simm.s32 $execute0_lowered;
	[smem:$0x3FD2] =	sst s25  }
0xa6: {  	s5 =	sshll.u32 s26, $0x1;
	_ =	strace $0x80000046;
	[dreg:$0x1] =	wrdreg $0xFFFFFFFF  }
0xa7: {  	s28 =	simm.s32 $_size_execute0_lowered;
	s3 =	sadd.s32 s3, s5;
	[dreg:$0x0] =	wrdreg $0x0  }
0xa8: {  	s5 =	sshll.u32 s28, $0x1;
	[dreg:$0x2] =	wrdreg s3  }
0xa9: {  	[dreg:$0x3] =	wrdreg s5  }
0xaa: {  	[dreg:$0x4] =	wrdreg $0xC0  }
0xab: {  	_ =	task [dreg:s7], $0x5FFFF  }
0xac: {  	[dreg:$0x1] =	wrdreg $0xFFFFFFFF  }
0xad: {  	[dreg:$0x0] =	wrdreg $0x60  }
0xae: {  	[dreg:$0x2] =	wrdreg s24  }
0xaf: {  	[dreg:$0x3] =	wrdreg s2  }
0xb0: {  	[dreg:$0x4] =	wrdreg $0x9  }
0xb1: {  	_ =	task.clear_ibuf [dreg:s7], $0x5FFFF;
	_ =	strace $0x90000046  }
0xb2: {  	s29 =	simm.s32 $0x9;
	_ =	strace $0x80000048  }
0xb3: {  	_ =	swait.ge [sflag:s29], $0x1  }
0xb4: {  	[sflag:s29] =	ssyncadd.s32 $0xFFFFFFFF  }
0xb5: {  	_ =	strace $0x90000048  }
0xb6: {  	_ =	sfence  }
0xb7: {  	s30 =	sld [smem:$0x0];
	_ =	sdelay $0x2  }
0xb8: {  	s31 =	sshll.u32 s1, $0xD;
	s1 =	sshrl.u32 s1, $0x2  }
0xb9: {  	s3 =	sand.u32 $0x4000, s31;
	s1 =	sadd.s32 s1, s30  }
0xba: {  	s0 =	sor.u32 s3, s0;
	s1 =	sshll.u32 s1, $0x11  }
0xbb: {  	s0 =	sor.u32 s1, s0  }
0xbc: {  	s0 =	sadd.s32 $0x8F2B, s0  }
0xbd: {  	[sflag:s0] =	ssyncadd.remote.s32 $0x1  }
0xbe: {  	_ =	sfence.sel $0xFFFF  }
0xbf: {  	[dreg:$0x0] =	wrdreg $0xFFFFFFFF;
	(pc) =	sbr.abs _section_cstart, $3  }
0xc0: {  	[dreg:$0x1] =	wrdreg $0xFFFFFFFF  }
0xc1: {  	_ =	task.clear_ibuf [dreg:s7], $0x2FFFF;
	_ =	strace $0x9FFFFFFF  }
0xc2: {  	(tm) =	ssettm $0x7FFFFFFF  }
0xc3: {  	_ =	shalt  }
tec
execute0_lowered:
.L_overlay_start_1:
0x0: {  	(tag) =	ssettag $0x1  }
0x1: {  	s0 =	srdreg.scid  }
0x2: {  	s4 =	rddreg [dreg:$0x0];
	s3 =	sand.u32 $0x1, s0  }
0x3: {  	s5 =	rddreg [dreg:$0x1];
	s0 =	stileid.u32;
	s1 =	sshll.u32 s3, $0x4  }
0x4: {  	s2 =	simm.s32 $0x0;
	s8 =	simm.s32 $0x2;
	s6 =	sor.u32 s0, s1  }
0x5: {  	s9 =	simm.s32 $0x0;
	[smem:$0x7FF] =	sst s2;
	s7 =	smul.u32 $0x276, s6  }
0x6: {  	s3 =	ssub.s32 $0x2, s3;
	s1 =	rddreg [dreg:$0x2];
	s6 =	smul.u32 $0x4E4, s6  }
0x7: {  	s31 =	sshrl.u32 s3, $0x1;
	_ =	strace $0x80000047;
	s4 =	sadd.s32 s7, s4  }
0x8: {  	s7 =	ssub.s32 s3, s31;
	s3 =	sadd.s32 $0x800, s4;
	s4 =	sadd.s32 s5, s6  }
0x9: {  	v0 =	vimm.f32 $0.0e+00;
	v1 =	vimm.f32 $1.000000000e+00;
	s5 =	smax.u32 s7, $0x1;
	s6 =	simm.s32 $0x1;
	s7 =	simm.s32 $0x13B0  }
.LBB2_1:
0xa: {  	[tilespmem:s2], [sflag:$0x1] =	stream.linear.gather [hbm4b:s3+s2], $0x13B0, $0x38;
	[tilespmem:$0x3AD0] =	vst v63  }
0xb: {  	s10 =	simm.s32 $0x40;
	s11 =	simm.s32 $0x0  }
.LBB2_2:
0xc: {  	p0 =	sne.s32 s10, $0x9C40;
	[tilespmem:s11+$0x13B0] =	vst v0;
	s11 =	smov.u32 s10;
	s10 =	sadd.s32 $0x40, s10  }
.Ltmp0:
0xd: {  	(pc) =	sbr.rel @p0 .LBB2_2-.Ltmp0, $2  }
0xe: {  	_ =	sdelay $0x2  }
0xf: {  	s11 =	sshra.s32 s11, $0x2  }
0x10: {  	[tilespmem:s11+$0x13B0] =	vst v0  }
0x11: {  	_ =	swait.ge [sflag:s6], $0x13B0  }
0x12: {  	[sflag:s6] =	ssyncset.done $0x0  }
0x13: {  	s11 =	simm.s32 $0x0;
	s10 =	simm.s32 $0x40;
	[sflag:s6] =	ssyncadd.s32 $0xFFFFEC50  }
.LBB2_4:
0x14: {  	p0 =	sne.s32 s10, $0x4E80;
	v2 =	vld [tilespmem:s11+$0x0];
	_ =	sdelay $0x3  }
.Ltmp1:
0x15: {  	(pc) =	sbr.rel @p0 .LBB2_4-.Ltmp1, $2  }
0x16: {  	_ =	sdelay $0x2  }
0x17: {  	s11 =	sshra.s32 s10, $0x2;
	s10 =	sadd.s32 $0x40, s10;
	[tilespmem:v2+s7+$0x0] =	vst.idx.add.f32.msk $0xffff, v1  }
0x18: {  	v2 =	vld [tilespmem:s11+$0x0];
	_ =	sdelay $0x5  }
0x19: {  	s9 =	sadd.s32 $0x1, s9  }
0x1a: {  	p0 =	sne.s32 s9, s5  }
.Ltmp2:
0x1b: {  	[tilespmem:v2+s7+$0x0] =	vst.idx.add.f32.msk $0xffff, v1;
	(pc) =	sbr.rel @p0 .LBB2_1-.Ltmp2, $4  }
0x1c: {  	[hbm4b:s4+s2] =	stream.linear.scatter [tilespmem:s7], [sflag:$0x2], $0x2720, $0x38;
	[tilespmem:$0x3AD0] =	vst v63  }
0x1d: {  	_ =	swait.ge [sflag:s8], $0x2720  }
0x1e: {  	[sflag:s8] =	ssyncset.done $0x0  }
0x1f: {  	[sflag:s8] =	ssyncadd.s32 $0xFFFFD8E0  }
0x20: {  	_ =	sfence.sel $0x180000  }
0x21: {  	[bflag:$0x0] =	sbarrier.arrive $0xFFFF  }
0x22: {  	p0 =	sne.s32 s0, $0x0;
	_ =	strace $0x90000047  }
0x23: {  	s0 =	sadd.s32 @!p0 $0x100000, s1;
	[bflag:$0x2] =	sbarrier.arrive $0xFFFF  }
0x24: {  	[sflag:s0] =	ssyncadd.tile.s32 @!p0 $0x1;
	_ =	shalt  }
.Lfunc_end2:
_tile_overlayer_lowered:
.L_overlay_start_2:
0x25: {  	(tag) =	ssettag $0x2  }
0x26: {  	s0 =	rddreg [dreg:$0x0];
	s2 =	stileid.u32  }
0x27: {  	s1 =	rddreg [dreg:$0x1];
	p0 =	sne.s32 s2, $0x0  }
0x28: {  	s3 =	rddreg [dreg:$0x2];
	[bflag:$0x3] =	sbarrier.arrive $0xFFFF;
	s2 =	simm.s32 @!p0 $0x1C02  }
0x29: {  	[timem:s3], [sflag:s2] =	dma.local @!p0 [hbm:s0], s1  }
0x2a: {  	s0 =	simm.s32 @!p0 $0x2  }
0x2b: {  	_ =	swait.ge @!p0 [sflag:s0], s1  }
0x2c: {  	s1 =	ssub.s32 @!p0 $0x0, s1;
	[sflag:s0] =	ssyncset.done @!p0 $0x0  }
0x2d: {  	[sflag:s0] =	ssyncadd.s32 @!p0 s1  }
0x2e: {  	[bflag:$0x3] =	sbarrier.arrive $0xFFFF  }
0x2f: {  	_ =	shalt  }

// kernel: kernel.9.cloned.1.call-start
scs
__scs_entry_jumppad:
0x0: {  	(pc) =	sbr.rel $0x88, $3  }
0x1: {  	(tag) =	ssettag $0x0;
	lr =	simm.s32 $0x1  }
0x2: {  	[smem:$0x3F9D] =	sst lr;
	_ =	strace $0xD0000000  }
0x3: {  	_ = 	snop  }
0x4: {  	_ = 	snop  }
0x5: {  	_ = 	snop  }
0x6: {  	_ = 	snop  }
0x7: {  	_ = 	snop  }
__scs_overlays_trampoline_lowered:
0x8: {  	[smem:$0x3FAC] =	sst s0  }
0x9: {  	[smem:$0x3FAD] =	sst s1  }
0xa: {  	[smem:$0x3FAE] =	sst s2  }
0xb: {  	[smem:$0x3FAF] =	sst s3  }
0xc: {  	[smem:$0x3FB0] =	sst s4  }
0xd: {  	[smem:$0x3FB1] =	sst s5  }
0xe: {  	[smem:$0x3FB2] =	sst s6  }
0xf: {  	[smem:$0x3FB3] =	sst s7  }
0x10: {  	[smem:$0x3FB4] =	sst s8  }
0x11: {  	[smem:$0x3FB5] =	sst s9;
	s0 =	simm.s32 @!p0 $0x0  }
0x12: {  	s1 =	sld [smem:$0x3F9B];
	s0 =	simm.s32 @p0 $0x1  }
0x13: {  	[smem:$0x3FB6] =	sst s0;
	s0 =	simm.s32 @!p1 $0x0  }
0x14: {  	s2 =	sld [smem:$0x3F9A];
	s0 =	simm.s32 @p1 $0x1  }
0x15: {  	[smem:$0x3FB7] =	sst s0;
	s0 =	simm.s32 @!p2 $0x0  }
0x16: {  	s3 =	sld [smem:$0x3FDB];
	s0 =	simm.s32 @p2 $0x1  }
0x17: {  	s4 =	simm.s32 $0x1BF5;
	[smem:$0x3FB9] =	sst s0  }
0x18: {  	s0 =	sld [smem:$0x3F9C];
	_ =	swait.ge [sflag:s4], $0x0  }
0x19: {  	s7 =	sld [smem:$0x3F9D]  }
0x1a: {  	s8 =	sadd.s32 $0xFFFFE003, lr  }
0x1b: {  	s9 =	sadd.s32 $0xFFFFFEF7, lr;
	s5 =	simm.s32 $0xFFFFFFFF;
	p2 =	slt.u32 s8, $0xFFFFF086  }
0x1c: {  	p1 =	slt.u32 s9, $0xF7A;
	s5 =	simm.s32 @!p2 $0x0  }
0x1d: {  	s5 =	simm.s32 @p1 $0x1;
	p0 =	seq.s32 s7, s2  }
0x1e: {  	s7 =	smul.u32 @!p0 $0xF7A, s2;
	p2 =	seq.s32 @!p0 s5, $0x0  }
0x1f: {  	s9 =	smul.u32 $0xF7A, s1;
	s8 =	simm.s32 @!p0 $0x1BF5;
	p2 =	por !p2, p0  }
0x20: {  	[sflag:s8] =	ssyncset.s32 @!p0 $0xFFFFF086;
	s6 =	sadd.s32 @!p0 s3, s7;
	s7 =	simm.s32 @!p0 $0x108  }
0x21: {  	s3 =	sadd.s32 s3, s9;
	s6 =	sadd.s32 @!p0 $0x88, s6;
	s7 =	simm.s32 @p2 $0x1082  }
0x22: {  	[simem:s7], [sflag:s8] =	dma.local @!p0 [hbm:s6], $0xF7A  }
0x23: {  	s9 =	sor.u32 $0xD0000000, s2;
	s6 =	simm.s32 $0x108;
	_ =	swait.ge @!p0 [sflag:s8], $0x0  }
0x24: {  	s3 =	sadd.s32 $0x88, s3;
	s6 =	simm.s32 @!p1 $0x1082;
	[sflag:s4] =	ssyncset.s32 $0xFFFFF086  }
0x25: {  	[simem:s6], [sflag:s4] =	dma.local [hbm:s3], $0xF7A  }
0x26: {  	[smem:$0x3F9D] =	sst s1;
	(tag) =	ssettag s2;
	_ =	strace s9  }
0x27: {  	s1 =	sld [smem:$0x3FAD]  }
0x28: {  	s2 =	sld [smem:$0x3FAE]  }
0x29: {  	s4 =	sld [smem:$0x3FB0]  }
0x2a: {  	p0 =	seq.s32 s5, $0x0;
	s5 =	sld [smem:$0x3FB1]  }
0x2b: {  	s6 =	sld [smem:$0x3FB2]  }
0x2c: {  	s7 =	sld [smem:$0x3FB3]  }
0x2d: {  	s3 =	simm.s32 $0x108;
	s8 =	sld [smem:$0x3FB4]  }
0x2e: {  	s3 =	simm.s32 @!p0 $0x1082;
	s9 =	sld [smem:$0x3FB5]  }
0x2f: {  	lr =	sadd.s32 s0, s3;
	s0 =	sld [smem:$0x3FAC]  }
0x30: {  	s3 =	sld [smem:$0x3FAF]  }
0x31: {  	[smem:$0x3FB8] =	sst s10  }
0x32: {  	s10 =	sld [smem:$0x3FB6];
	_ =	sdelay $0x3  }
0x33: {  	p0 =	seq.s32 s10, $0x1;
	s10 =	sld [smem:$0x3FB8];
	_ =	sdelay $0x3  }
0x34: {  	[smem:$0x3FB8] =	sst s10  }
0x35: {  	s10 =	sld [smem:$0x3FB7];
	_ =	sdelay $0x3  }
0x36: {  	p1 =	seq.s32 s10, $0x1;
	s10 =	sld [smem:$0x3FB8];
	_ =	sdelay $0x3  }
0x37: {  	[smem:$0x3FB8] =	sst s10  }
0x38: {  	s10 =	sld [smem:$0x3FB9]  }
0x39: {  	_ = 	snop;
	(pc) =	sbr.ind lr, $3  }
0x3a: {  	_ = 	snop  }
0x3b: {  	_ = 	snop  }
0x3c: {  	p2 =	seq.s32 s10, $0x1;
	s10 =	sld [smem:$0x3FB8]  }
0x3d: {  	_ =	shalt  }
0x3e: {  	_ =	shalt  }
0x3f: {  	_ =	shalt  }
0x40: {  	_ =	shalt  }
0x41: {  	_ =	shalt  }
0x42: {  	_ =	shalt  }
0x43: {  	_ =	shalt  }
0x44: {  	_ =	shalt  }
0x45: {  	_ =	shalt  }
0x46: {  	_ =	shalt  }
0x47: {  	_ =	shalt  }
0x48: {  	_ =	shalt  }
0x49: {  	_ =	shalt  }
0x4a: {  	_ =	shalt  }
0x4b: {  	_ =	shalt  }
0x4c: {  	_ =	shalt  }
0x4d: {  	_ =	shalt  }
0x4e: {  	_ =	shalt  }
0x4f: {  	_ =	shalt  }
0x50: {  	_ =	shalt  }
0x51: {  	_ =	shalt  }
0x52: {  	_ =	shalt  }
0x53: {  	_ =	shalt  }
0x54: {  	_ =	shalt  }
0x55: {  	_ =	shalt  }
0x56: {  	_ =	shalt  }
0x57: {  	_ =	shalt  }
0x58: {  	_ =	shalt  }
0x59: {  	_ =	shalt  }
0x5a: {  	_ =	shalt  }
0x5b: {  	_ =	shalt  }
0x5c: {  	_ =	shalt  }
0x5d: {  	_ =	shalt  }
0x5e: {  	_ =	shalt  }
0x5f: {  	_ =	shalt  }
0x60: {  	_ =	shalt  }
0x61: {  	_ =	shalt  }
0x62: {  	_ =	shalt  }
0x63: {  	_ =	shalt  }
0x64: {  	_ =	shalt  }
0x65: {  	_ =	shalt  }
0x66: {  	_ =	shalt  }
0x67: {  	_ =	shalt  }
0x68: {  	_ =	shalt  }
0x69: {  	_ =	shalt  }
0x6a: {  	_ =	shalt  }
0x6b: {  	_ =	shalt  }
0x6c: {  	_ =	shalt  }
0x6d: {  	_ =	shalt  }
0x6e: {  	_ =	shalt  }
0x6f: {  	_ =	shalt  }
0x70: {  	_ =	shalt  }
0x71: {  	_ =	shalt  }
0x72: {  	_ =	shalt  }
0x73: {  	_ =	shalt  }
0x74: {  	_ =	shalt  }
0x75: {  	_ =	shalt  }
0x76: {  	_ =	shalt  }
0x77: {  	_ =	shalt  }
0x78: {  	_ =	shalt  }
0x79: {  	_ =	shalt  }
0x7a: {  	_ =	shalt  }
0x7b: {  	_ =	shalt  }
0x7c: {  	_ =	shalt  }
0x7d: {  	_ =	shalt  }
0x7e: {  	_ =	shalt  }
0x7f: {  	_ =	shalt  }
0x80: {  	_ =	shalt  }
0x81: {  	_ =	shalt  }
0x82: {  	_ =	shalt  }
0x83: {  	_ =	shalt  }
0x84: {  	_ =	shalt  }
0x85: {  	_ =	shalt  }
0x86: {  	_ =	shalt  }
0x87: {  	_ =	shalt  }
.Lfunc_end0:
.L_simem_size_0:
called_computation.1_lowered:
.L_overlay_start_0:
0x88: {  	s2 =	sld [smem:$0x3FD9]  }
0x89: {  	s3 =	sld [smem:$0x3FFE];
	_ =	sdelay $0x1  }
0x8a: {  	s1 =	srdreg.scid  }
0x8b: {  	s0 =	sand.u32 $0x1, s1  }
0x8c: {  	s17 =	sshll.u32 s0, $0xA;
	s2 =	sadd.s32 s3, s2  }
0x8d: {  	s2 =	sadd.s32 s2, s17  }
0x8e: {  	[smem:$0x3FC4] =	sst s2  }
0x8f: {  	_ = 	snop  }
0x90: {  	s2 =	sld [smem:$0x3FD0];
	(tm) =	ssettm $0x1  }
0x91: {  	s18 =	sld [smem:$0x3FFB];
	_ =	sdelay $0x3  }
0x92: {  	_ =	strace s18  }
0x93: {  	s3 =	sld [smem:$0x3FFC];
	_ =	sdelay $0x3  }
0x94: {  	_ =	strace s3  }
0x95: {  	s3 =	sld [smem:$0x3FFD];
	_ =	sdelay $0x3  }
0x96: {  	_ =	strace s3  }
0x97: {  	_ =	strace $0x8FFFFFFF  }
0x98: {  	s19 =	sld [smem:$0x3FDB];
	_ =	sdelay $0x1  }
0x99: {  	s4 =	simm.s32 $_scs_section_size  }
0x9a: {  	s5 =	simm.s32 $_size__tile_overlayer_lowered;
	s6 =	simm.s32 $_tile_overlayer_lowered  }
0x9b: {  	s22 =	simm.s32 $0x1BFF;
	s21 =	sshll.u32 s6, $0x1;
	s3 =	sadd.s32 s4, s19  }
0x9c: {  	s7 =	simm.s32 $0x0;
	s20 =	sshll.u32 s5, $0x1;
	s5 =	sadd.s32 s21, s3  }
0x9d: {  	[timem:s7], [sflag:s22] =	dma.local [hbm:s5], s20  }
0x9e: {  	_ =	swait.ge [sflag:s22], s20  }
0x9f: {  	s4 =	ssub.s32 $0x0, s20;
	[sflag:s22] =	ssyncset.done $0x0  }
0xa0: {  	[sflag:s22] =	ssyncadd.s32 s4;
	_ =	sdelay $0x1  }
0xa1: {  	s23 =	simm.s32 $0x1B8B  }
0xa2: {  	_ =	swait.ge [sflag:s23], $0x1  }
0xa3: {  	[sflag:s23] =	ssyncset.done $0x0  }
0xa4: {  	s25 =	simm.s32 $0x1B8E;
	s24 =	sld [smem:$0x3FFE];
	[sflag:s23] =	ssyncadd.s32 $0xFFFFFFFF  }
0xa5: {  	s26 =	simm.s32 $execute0_lowered;
	[smem:$0x3FD2] =	sst s25  }
0xa6: {  	s5 =	sshll.u32 s26, $0x1;
	_ =	strace $0x80000049;
	[dreg:$0x1] =	wrdreg $0xFFFFFFFF  }
0xa7: {  	s28 =	simm.s32 $_size_execute0_lowered;
	s3 =	sadd.s32 s3, s5;
	[dreg:$0x0] =	wrdreg $0x0  }
0xa8: {  	s5 =	sshll.u32 s28, $0x1;
	[dreg:$0x2] =	wrdreg s3  }
0xa9: {  	[dreg:$0x3] =	wrdreg s5  }
0xaa: {  	[dreg:$0x4] =	wrdreg $0xC0  }
0xab: {  	_ =	task [dreg:s7], $0x5FFFF  }
0xac: {  	[dreg:$0x1] =	wrdreg $0xFFFFFFFF  }
0xad: {  	[dreg:$0x0] =	wrdreg $0x60  }
0xae: {  	[dreg:$0x2] =	wrdreg s2  }
0xaf: {  	[dreg:$0x3] =	wrdreg s24  }
0xb0: {  	[dreg:$0x4] =	wrdreg $0x0  }
0xb1: {  	[dreg:$0x5] =	wrdreg $0x9  }
0xb2: {  	_ =	task.clear_ibuf [dreg:s7], $0x6FFFF;
	_ =	strace $0x90000049  }
0xb3: {  	s29 =	simm.s32 $0x9;
	_ =	strace $0x8000004B  }
0xb4: {  	_ =	swait.ge [sflag:s29], $0x1  }
0xb5: {  	[sflag:s29] =	ssyncadd.s32 $0xFFFFFFFF  }
0xb6: {  	_ =	strace $0x9000004B  }
0xb7: {  	_ =	sfence  }
0xb8: {  	s30 =	sld [smem:$0x0];
	_ =	sdelay $0x2  }
0xb9: {  	s31 =	sshll.u32 s1, $0xD;
	s1 =	sshrl.u32 s1, $0x2  }
0xba: {  	s3 =	sand.u32 $0x4000, s31;
	s1 =	sadd.s32 s1, s30  }
0xbb: {  	s0 =	sor.u32 s3, s0;
	s1 =	sshll.u32 s1, $0x11  }
0xbc: {  	s0 =	sor.u32 s1, s0  }
0xbd: {  	s0 =	sadd.s32 $0x8F2B, s0  }
0xbe: {  	[sflag:s0] =	ssyncadd.remote.s32 $0x1  }
0xbf: {  	_ =	sfence.sel $0xFFFF  }
0xc0: {  	[dreg:$0x0] =	wrdreg $0xFFFFFFFF;
	(pc) =	sbr.abs _section_cstart, $3  }
0xc1: {  	[dreg:$0x1] =	wrdreg $0xFFFFFFFF  }
0xc2: {  	_ =	task.clear_ibuf [dreg:s7], $0x2FFFF;
	_ =	strace $0x9FFFFFFF  }
0xc3: {  	(tm) =	ssettm $0x7FFFFFFF  }
tec
execute0_lowered:
.L_overlay_start_1:
0x0: {  	(tag) =	ssettag $0x1  }
0x1: {  	s0 =	rddreg [dreg:$0x0]  }
0x2: {  	s1 =	rddreg [dreg:$0x1]  }
0x3: {  	s2 =	rddreg [dreg:$0x2]  }
0x4: {  	s13 =	stileid.u32;
	s4 =	srdreg.scid  }
0x5: {  	s3 =	simm.s32 $0x0;
	s9 =	simm.s32 $0x5;
	s11 =	simm.s32 $0x38  }
0x6: {  	s12 =	simm.s32 $0x187C0;
	s14 =	simm.s32 $0x1A3C0;
	s15 =	simm.s32 $0x13970  }
0x7: {  	s16 =	simm.s32 $0x1BFC0;
	s17 =	simm.s32 $0x139A8;
	s18 =	simm.s32 $0x1DBC0  }
0x8: {  	s22 =	simm.s32 $0x1;
	s23 =	simm.s32 $0x2;
	s25 =	simm.s32 $0x3  }
0x9: {  	s28 =	simm.s32 $0x186E0;
	s29 =	simm.s32 $0x18718;
	s30 =	simm.s32 $0x18750  }
0xa: {  	s31 =	simm.s32 $0x18788;
	s5 =	smul.u32 $0x4EC, s13;
	s4 =	sand.u32 $0x1, s4  }
0xb: {  	[smem:$0x7FF] =	sst s3;
	s8 =	smul.u32 $0x13880, s13;
	s20 =	sshll.u32 s13, $0x6  }
0xc: {  	s6 =	smul.u32 $0x27100, s4;
	_ =	strace $0x8000004A;
	s4 =	ssub.s32 $0x2, s4  }
0xd: {  	s20 =	sor.u32 $0x1C05, s20;
	s5 =	sadd.s32 s5, s1;
	s7 =	sshrl.u32 s4, $0x1  }
0xe: {  	s26 =	sadd.s32 s8, s2;
	s10 =	sshrl.u32 s8, $0x3;
	s8 =	simm.s32 $0x13900  }
0xf: {  	s1 =	sadd.s32 s6, s1;
	s7 =	ssub.s32 s4, s7;
	s4 =	sadd.s32 $0x5800, s5  }
0x10: {  	s5 =	sadd.s32 $0x800, s5;
	s6 =	sadd.s32 s0, s6;
	s21 =	sshrl.u32 s26, $0x3  }
0x11: {  	s26 =	simm.s32 $0x4;
	s0 =	simm.s32 $0x0;
	s1 =	sadd.s32 $0xA800, s1  }
0x12: {  	s7 =	smax.u32 s7, $0x1;
	s19 =	sadd.s32 s10, s6;
	s24 =	sadd.s32 s10, s1  }
.LBB2_1:
0x13: {  	[tilespmem:s8], [sflag:$0x5] =	stream.linear.gather [hbm4b:s4+s3], $0x2760, $0x38;
	[tilespmem:$0x1F7C0] =	vst v63  }
0x14: {  	_ =	swait.ge [sflag:s9], $0x2760  }
0x15: {  	[sflag:s9] =	ssyncset.done $0x0  }
0x16: {  	s1 =	simm.s32 $0x16060;
	[sflag:s9] =	ssyncadd.s32 $0xFFFFD8A0  }
0x17: {  	[tilespmem:s1], [sflag:$0x5] =	stream.linear.gather [hbm4b:s5+s3], $0x2760, $0x38;
	[tilespmem:$0x1F7C0] =	vst v63  }
0x18: {  	_ =	swait.ge [sflag:s9], $0x2760  }
0x19: {  	[sflag:s9] =	ssyncset.done $0x0  }
0x1a: {  	[sflag:s9] =	ssyncadd.s32 $0xFFFFD8A0  }
0x1b: {  	[tilespmem:s12], [sflag:$0x1] =	stream.indirect.gather [hbm4b:s6+s11], $0x80, s8, s11, $0xb8;
	[tilespmem:$0x1F7C0] =	vst v63  }
0x1c: {  	s10 =	simm.s32 $0x13938  }
0x1d: {  	[tilespmem:s14], [sflag:$0x2] =	stream.indirect.gather [hbm4b:s6+s11], $0x80, s10, s11, $0xb8;
	[tilespmem:$0x1F7C0] =	vst v63  }
0x1e: {  	_ = 	snop  }
0x1f: {  	[tilespmem:s16], [sflag:$0x3] =	stream.indirect.gather [hbm4b:s6+s11], $0x80, s15, s11, $0xb8;
	[tilespmem:$0x1F7C0] =	vst v63  }
0x20: {  	_ = 	snop  }
0x21: {  	[tilespmem:s18], [sflag:$0x4] =	stream.indirect.gather [hbm4b:s6+s11], $0x80, s17, s11, $0xb8;
	[tilespmem:$0x1F7C0] =	vst v63  }
0x22: {  	[spmem:s21], [sflag:s20] =	dma.local [hbm:s19], $0x2710  }
0x23: {  	_ =	swait.ge [sflag:s9], $0x2710  }
0x24: {  	[sflag:s9] =	ssyncset.done $0x0  }
0x25: {  	[sflag:s9] =	ssyncadd.s32 $0xFFFFD8F0  }
0x26: {  	[bflag:$0x0] =	sbarrier.arrive $0xFFFF  }
0x27: {  	_ =	swait.ge [sflag:s22], $0x1C00  }
0x28: {  	[sflag:s22] =	ssyncset.done $0x0  }
0x29: {  	s13 =	simm.s32 $0x16060;
	[sflag:s22] =	ssyncadd.s32 $0xFFFFE400  }
0x2a: {  	[spmem:s2] =	stream.indirect.scatter.add.f32 [tilespmem:s12], [sflag:$0x5], $0x80, s13, s11, $0xb8;
	[tilespmem:$0x1F7C0] =	vst v63  }
0x2b: {  	_ =	swait.ge [sflag:s9], $0x1C00  }
0x2c: {  	[sflag:s9] =	ssyncset.done $0x0  }
0x2d: {  	s10 =	simm.s32 $0x139E0;
	[sflag:s9] =	ssyncadd.s32 $0xFFFFE400  }
0x2e: {  	[tilespmem:s12], [sflag:$0x1] =	stream.indirect.gather [hbm4b:s6+s11], $0x80, s10, s11, $0xb8;
	[tilespmem:$0x1F7C0] =	vst v63  }
0x2f: {  	_ =	swait.ge [sflag:s23], $0x1C00  }
0x30: {  	[sflag:s23] =	ssyncset.done $0x0  }
0x31: {  	s13 =	simm.s32 $0x16098;
	[sflag:s23] =	ssyncadd.s32 $0xFFFFE400  }
0x32: {  	[spmem:s2] =	stream.indirect.scatter.add.f32 [tilespmem:s14], [sflag:$0x5], $0x80, s13, s11, $0xb8;
	[tilespmem:$0x1F7C0] =	vst v63  }
0x33: {  	_ =	swait.ge [sflag:s9], $0x1C00  }
0x34: {  	[sflag:s9] =	ssyncset.done $0x0  }
0x35: {  	s10 =	simm.s32 $0x13A18;
	[sflag:s9] =	ssyncadd.s32 $0xFFFFE400  }
0x36: {  	[tilespmem:s14], [sflag:$0x2] =	stream.indirect.gather [hbm4b:s6+s11], $0x80, s10, s11, $0xb8;
	[tilespmem:$0x1F7C0] =	vst v63  }
0x37: {  	_ =	swait.ge [sflag:s25], $0x1C00  }
0x38: {  	[sflag:s25] =	ssyncset.done $0x0  }
0x39: {  	s13 =	simm.s32 $0x160D0;
	[sflag:s25] =	ssyncadd.s32 $0xFFFFE400  }
0x3a: {  	[spmem:s2] =	stream.indirect.scatter.add.f32 [tilespmem:s16], [sflag:$0x5], $0x80, s13, s11, $0xb8;
	[tilespmem:$0x1F7C0] =	vst v63  }
0x3b: {  	_ =	swait.ge [sflag:s9], $0x1C00  }
0x3c: {  	[sflag:s9] =	ssyncset.done $0x0  }
0x3d: {  	s10 =	simm.s32 $0x13A50;
	[sflag:s9] =	ssyncadd.s32 $0xFFFFE400  }
0x3e: {  	[tilespmem:s16], [sflag:$0x3] =	stream.indirect.gather [hbm4b:s6+s11], $0x80, s10, s11, $0xb8;
	[tilespmem:$0x1F7C0] =	vst v63  }
0x3f: {  	_ =	swait.ge [sflag:s26], $0x1C00  }
0x40: {  	[sflag:s26] =	ssyncset.done $0x0  }
0x41: {  	s13 =	simm.s32 $0x16108;
	[sflag:s26] =	ssyncadd.s32 $0xFFFFE400  }
0x42: {  	[spmem:s2] =	stream.indirect.scatter.add.f32 [tilespmem:s18], [sflag:$0x5], $0x80, s13, s11, $0xb8;
	[tilespmem:$0x1F7C0] =	vst v63  }
0x43: {  	_ =	swait.ge [sflag:s9], $0x1C00  }
0x44: {  	[sflag:s9] =	ssyncset.done $0x0  }
0x45: {  	s1 =	simm.s32 $0x380;
	s10 =	simm.s32 $0x13A88;
	[sflag:s9] =	ssyncadd.s32 $0xFFFFE400  }
.LBB2_2:
0x46: {  	[tilespmem:s18], [sflag:$0x4] =	stream.indirect.gather [hbm4b:s6+s11], $0x80, s10, s11, $0xb8;
	[tilespmem:$0x1F7C0] =	vst v63  }
0x47: {  	s10 =	smov.u32 s1  }
0x48: {  	p0 =	sne.s32 s1, $0x9680;
	s1 =	sadd.s32 $0x380, s1;
	_ =	swait.ge [sflag:s22], $0x1C00  }
0x49: {  	s10 =	sshra.s32 s10, $0x2;
	[sflag:s22] =	ssyncset.done $0x0  }
0x4a: {  	s13 =	sadd.s32 $0x16060, s10;
	[sflag:s22] =	ssyncadd.s32 $0xFFFFE400  }
0x4b: {  	[spmem:s2] =	stream.indirect.scatter.add.f32 [tilespmem:s12], [sflag:$0x5], $0x80, s13, s11, $0xb8;
	[tilespmem:$0x1F7C0] =	vst v63  }
0x4c: {  	_ =	swait.ge [sflag:s9], $0x1C00  }
0x4d: {  	[sflag:s9] =	ssyncset.done $0x0  }
0x4e: {  	s13 =	sadd.s32 $0x139E0, s10;
	[sflag:s9] =	ssyncadd.s32 $0xFFFFE400  }
0x4f: {  	[tilespmem:s12], [sflag:$0x1] =	stream.indirect.gather [hbm4b:s6+s11], $0x80, s13, s11, $0xb8;
	[tilespmem:$0x1F7C0] =	vst v63  }
0x50: {  	_ =	swait.ge [sflag:s23], $0x1C00  }
0x51: {  	[sflag:s23] =	ssyncset.done $0x0  }
0x52: {  	s13 =	sadd.s32 $0x16098, s10;
	[sflag:s23] =	ssyncadd.s32 $0xFFFFE400  }
0x53: {  	[spmem:s2] =	stream.indirect.scatter.add.f32 [tilespmem:s14], [sflag:$0x5], $0x80, s13, s11, $0xb8;
	[tilespmem:$0x1F7C0] =	vst v63  }
0x54: {  	_ =	swait.ge [sflag:s9], $0x1C00  }
0x55: {  	[sflag:s9] =	ssyncset.done $0x0  }
0x56: {  	s13 =	sadd.s32 $0x13A18, s10;
	[sflag:s9] =	ssyncadd.s32 $0xFFFFE400  }
0x57: {  	[tilespmem:s14], [sflag:$0x2] =	stream.indirect.gather [hbm4b:s6+s11], $0x80, s13, s11, $0xb8;
	[tilespmem:$0x1F7C0] =	vst v63  }
0x58: {  	_ =	swait.ge [sflag:s25], $0x1C00  }
0x59: {  	[sflag:s25] =	ssyncset.done $0x0  }
0x5a: {  	s13 =	sadd.s32 $0x160D0, s10;
	[sflag:s25] =	ssyncadd.s32 $0xFFFFE400  }
0x5b: {  	[spmem:s2] =	stream.indirect.scatter.add.f32 [tilespmem:s16], [sflag:$0x5], $0x80, s13, s11, $0xb8;
	[tilespmem:$0x1F7C0] =	vst v63  }
0x5c: {  	_ =	swait.ge [sflag:s9], $0x1C00  }
0x5d: {  	[sflag:s9] =	ssyncset.done $0x0  }
0x5e: {  	s13 =	sadd.s32 $0x13A50, s10;
	[sflag:s9] =	ssyncadd.s32 $0xFFFFE400  }
0x5f: {  	[tilespmem:s16], [sflag:$0x3] =	stream.indirect.gather [hbm4b:s6+s11], $0x80, s13, s11, $0xb8;
	[tilespmem:$0x1F7C0] =	vst v63  }
0x60: {  	_ =	swait.ge [sflag:s26], $0x1C00  }
0x61: {  	[sflag:s26] =	ssyncset.done $0x0  }
.Ltmp0:
0x62: {  	s13 =	sadd.s32 $0x16108, s10;
	[sflag:s26] =	ssyncadd.s32 $0xFFFFE400;
	(pc) =	sbr.rel @p0 .LBB2_2-.Ltmp0, $4  }
0x63: {  	[spmem:s2] =	stream.indirect.scatter.add.f32 [tilespmem:s18], [sflag:$0x5], $0x80, s13, s11, $0xb8;
	[tilespmem:$0x1F7C0] =	vst v63  }
0x64: {  	_ =	swait.ge [sflag:s9], $0x1C00  }
0x65: {  	[sflag:s9] =	ssyncset.done $0x0  }
0x66: {  	s10 =	sadd.s32 $0x13A88, s10;
	[sflag:s9] =	ssyncadd.s32 $0xFFFFE400  }
0x67: {  	[tilespmem:s18], [sflag:$0x4] =	stream.indirect.gather [hbm4b:s6+s11], $0x80, s10, s11, $0xb8;
	[tilespmem:$0x1F7C0] =	vst v63  }
0x68: {  	_ =	swait.ge [sflag:s22], $0x1C00  }
0x69: {  	[sflag:s22] =	ssyncset.done $0x0  }
0x6a: {  	[sflag:s22] =	ssyncadd.s32 $0xFFFFE400  }
0x6b: {  	[spmem:s2] =	stream.indirect.scatter.add.f32 [tilespmem:s12], [sflag:$0x5], $0x80, s28, s11, $0xb8;
	[tilespmem:$0x1F7C0] =	vst v63  }
0x6c: {  	_ =	swait.ge [sflag:s9], $0x1C00  }
0x6d: {  	[sflag:s9] =	ssyncset.done $0x0  }
0x6e: {  	[sflag:s9] =	ssyncadd.s32 $0xFFFFE400  }
0x6f: {  	_ =	swait.ge [sflag:s23], $0x1C00  }
0x70: {  	[sflag:s23] =	ssyncset.done $0x0  }
0x71: {  	[sflag:s23] =	ssyncadd.s32 $0xFFFFE400  }
0x72: {  	[spmem:s2] =	stream.indirect.scatter.add.f32 [tilespmem:s14], [sflag:$0x5], $0x80, s29, s11, $0xb8;
	[tilespmem:$0x1F7C0] =	vst v63  }
0x73: {  	_ =	swait.ge [sflag:s9], $0x1C00  }
0x74: {  	[sflag:s9] =	ssyncset.done $0x0  }
0x75: {  	[sflag:s9] =	ssyncadd.s32 $0xFFFFE400  }
0x76: {  	_ =	swait.ge [sflag:s25], $0x1C00  }
0x77: {  	[sflag:s25] =	ssyncset.done $0x0  }
0x78: {  	[sflag:s25] =	ssyncadd.s32 $0xFFFFE400  }
0x79: {  	[spmem:s2] =	stream.indirect.scatter.add.f32 [tilespmem:s16], [sflag:$0x5], $0x80, s30, s11, $0xb8;
	[tilespmem:$0x1F7C0] =	vst v63  }
0x7a: {  	_ =	swait.ge [sflag:s9], $0x1C00  }
0x7b: {  	[sflag:s9] =	ssyncset.done $0x0  }
0x7c: {  	[sflag:s9] =	ssyncadd.s32 $0xFFFFE400  }
0x7d: {  	_ =	swait.ge [sflag:s26], $0x1C00  }
0x7e: {  	[sflag:s26] =	ssyncset.done $0x0  }
0x7f: {  	[sflag:s26] =	ssyncadd.s32 $0xFFFFE400  }
0x80: {  	[spmem:s2] =	stream.indirect.scatter.add.f32 [tilespmem:s18], [sflag:$0x5], $0x80, s31, s11, $0xb8;
	[tilespmem:$0x1F7C0] =	vst v63  }
0x81: {  	_ =	swait.ge [sflag:s9], $0x1C00  }
0x82: {  	s0 =	sadd.s32 $0x1, s0;
	[sflag:s9] =	ssyncset.done $0x0  }
0x83: {  	p0 =	sne.s32 s0, s7;
	[sflag:s9] =	ssyncadd.s32 $0xFFFFE400  }
.Ltmp1:
0x84: {  	[bflag:$0x0] =	sbarrier.arrive $0xFFFF;
	(pc) =	sbr.rel @p0 .LBB2_1-.Ltmp1, $4  }
0x85: {  	[hbm:s24], [sflag:s20] =	dma.local [spmem:s21], $0x2710  }
0x86: {  	_ =	swait.ge [sflag:s9], $0x2710  }
0x87: {  	[sflag:s9] =	ssyncset.done $0x0  }
0x88: {  	[sflag:s9] =	ssyncadd.s32 $0xFFFFD8F0  }
0x89: {  	_ =	sfence.sel $0x180000  }
0x8a: {  	[bflag:$0x0] =	sbarrier.arrive $0xFFFF  }
0x8b: {  	_ =	strace $0x9000004A  }
0x8c: {  	s0 =	stileid.u32;
	[bflag:$0x2] =	sbarrier.arrive $0xFFFF  }
0x8d: {  	p0 =	sne.s32 s0, $0x0;
	s0 =	rddreg [dreg:$0x3]  }
0x8e: {  	s0 =	sadd.s32 @!p0 $0x100000, s0  }
0x8f: {  	[sflag:s0] =	ssyncadd.tile.s32 @!p0 $0x1;
	_ =	shalt  }
.Lfunc_end2:
_tile_overlayer_lowered:
.L_overlay_start_2:
0x90: {  	(tag) =	ssettag $0x2  }
0x91: {  	s0 =	rddreg [dreg:$0x0];
	s2 =	stileid.u32  }
0x92: {  	s1 =	rddreg [dreg:$0x1];
	p0 =	sne.s32 s2, $0x0  }
0x93: {  	s3 =	rddreg [dreg:$0x2];
	[bflag:$0x3] =	sbarrier.arrive $0xFFFF;
	s2 =	simm.s32 @!p0 $0x1C05  }
0x94: {  	[timem:s3], [sflag:s2] =	dma.local @!p0 [hbm:s0], s1  }
0x95: {  	s0 =	simm.s32 @!p0 $0x5  }
0x96: {  	_ =	swait.ge @!p0 [sflag:s0], s1  }
0x97: {  	s1 =	ssub.s32 @!p0 $0x0, s1;
	[sflag:s0] =	ssyncset.done @!p0 $0x0  }
0x98: {  	[sflag:s0] =	ssyncadd.s32 @!p0 s1  }
0x99: {  	[bflag:$0x3] =	sbarrier.arrive $0xFFFF  }
0x9a: {  	_ =	shalt  }

</sc_bundles>
